<compile_context>
chip_gen: v7x
topology: tpu7x:2x2x1
jax: 0.10.2.dev20260603
libtpu: 0.0.44.dev20260713+nightly
codegen_flags: <defaults>
</compile_context>

<pallas_src>
import jax
import jax.numpy as jnp
from jax import lax
from jax.experimental import pallas as pl
from jax.experimental.pallas import tpu as pltpu
from jax.experimental.pallas import tpu_sc as plsc

_NUM_CLASSES = 1000
_N_CTX = 16
_DIM = 512
_SEQ = 77
_SUF = _SEQ - 1 - _N_CTX
_B = 4096

_NC = 2
_NS = 16
_NW = _NC * _NS
_BPW = _B // _NW


def _sc_body(lab_hbm, aug_hbm, out_hbm, idx_v, buf, sem0, sem1):
    wid = lax.axis_index("s") * _NC + lax.axis_index("c")
    base = wid * _BPW

    pltpu.sync_copy(lab_hbm.at[wid], idx_v)
    sems = (sem0, sem1)

    def copy(c, b):
        return pltpu.make_async_copy(
            aug_hbm.at[idx_v.at[c]], buf.at[b], sems[b])

    copy(0, 0).start()
    copy(1, 1).start()

    def body(i, carry):
        for b in range(2):
            cur = 2 * i + b
            copy(cur, b).wait()
            pltpu.sync_copy(buf.at[b],
                            out_hbm.at[pl.ds(base + cur, 1), :, :, :])
            copy(jnp.minimum(cur + 2, _BPW - 1), b).start()
        return carry

    lax.fori_loop(0, _BPW // 2, body, 0)
    copy(_BPW - 1, 0).wait()
    copy(_BPW - 1, 1).wait()


@jax.jit
def kernel(label, cls_ctx, token_prefix, token_suffix):
    lab = label.astype(jnp.int32).reshape(_NW, _BPW, 1)
    pre4 = jnp.broadcast_to(token_prefix.reshape(1, 1, 1, _DIM),
                            (_NUM_CLASSES, 1, 1, _DIM))
    ctx4 = cls_ctx.reshape(_NUM_CLASSES, _N_CTX, 1, _DIM)
    suf4 = token_suffix.reshape(_NUM_CLASSES, _SUF, 1, _DIM)
    aug4 = jnp.concatenate([pre4, ctx4, suf4], axis=1)

    mesh = plsc.VectorSubcoreMesh(core_axis_name="c", subcore_axis_name="s")
    out = pl.kernel(
        _sc_body,
        out_type=jax.ShapeDtypeStruct((_B, _SEQ, 1, _DIM), jnp.float32),
        mesh=mesh,
        scratch_types=[
            pltpu.VMEM((_BPW, 1), jnp.int32),
            pltpu.VMEM((2, 1, _SEQ, 1, _DIM), jnp.float32),
            pltpu.SemaphoreType.DMA,
            pltpu.SemaphoreType.DMA,
        ],
    )(lab, aug4)
    return out.reshape(_B, _SEQ, _DIM)

# --- scband reference (transcript-rebuilt; emitter-appended) ---
"""Pipeline reference for scband-prompt-learner-18038862643719 (READ-ONLY COPY).

The authoritative reference and input builder live on the scoring server;
editing this copy changes nothing except your own understanding.
"""

import jax, jax.numpy as jnp
import numpy as np

NUM_CLASSES = 1000
N_CTX = 16
CTX_DIM = 512
SEQ_LEN = 77
SUFFIX_LEN = SEQ_LEN - 1 - N_CTX  # 60
BATCH = 4096


def setup_inputs(seed: int = 0) -> dict:
    key = jax.random.key(seed)
    k_label, k_ctx, k_pre, k_suf = jax.random.split(key, 4)
    label = jax.random.randint(k_label, (BATCH,), 0, NUM_CLASSES, dtype=jnp.int64 if jax.config.jax_enable_x64 else jnp.int32)
    # learned per-class context vectors, init std=0.02 like the torch module
    cls_ctx = jax.random.normal(k_ctx, (NUM_CLASSES, N_CTX, CTX_DIM), dtype=jnp.float32) * 0.02
    # frozen token embeddings for the shared SOS prefix and per-class suffix
    token_prefix = jax.random.normal(k_pre, (1, 1, CTX_DIM), dtype=jnp.float32) * 0.02
    token_suffix = jax.random.normal(k_suf, (NUM_CLASSES, SUFFIX_LEN, CTX_DIM), dtype=jnp.float32) * 0.02
    return {"label": label, "cls_ctx": cls_ctx, "token_prefix": token_prefix, "token_suffix": token_suffix}


def reference(label, cls_ctx, token_prefix, token_suffix):
    # cls_ctx[label] -> [B, n_ctx, dim] (gather over class dimension)
    ctx = jnp.take(cls_ctx, label, axis=0)
    b = label.shape[0]
    # prefix expand to [B, 1, dim]
    prefix = jnp.broadcast_to(token_prefix, (b, token_prefix.shape[1], token_prefix.shape[2]))
    # suffix gather -> [B, suffix_len, dim]
    suffix = jnp.take(token_suffix, label, axis=0)
    prompts = jnp.concatenate([prefix, ctx, suffix], axis=1)
    return prompts

if __name__ == "__main__":
    import jax
    _d = setup_inputs()
    print(jax.jit(kernel)(*tuple(_d.values())))

</pallas_src>

<mosaic_0001>
#map = affine_map<(d0, d1) -> (0, 0, 0)>
#map1 = affine_map<(d0, d1) -> (0, 0, 0, 0)>
module attributes {stable_mosaic.version = 14 : i64} {
  func.func @_sc_body(%arg0: i32, %arg1: i32, %arg2: memref<32x128x1xi32, #tpu.memory_space<hbm>>, %arg3: memref<1000x77x1x512xf32, #tpu.memory_space<hbm>>, %arg4: memref<4096x77x1x512xf32, #tpu.memory_space<hbm>>, %arg5: memref<128x1xi32, #tpu.memory_space<vmem>>, %arg6: memref<2x1x77x1x512xf32, #tpu.memory_space<vmem>>, %arg7: memref<!tpu.dma_semaphore, #tpu.memory_space<semaphore_mem>>, %arg8: memref<!tpu.dma_semaphore, #tpu.memory_space<semaphore_mem>>) attributes {dimension_semantics = [#tpu.dimension_semantics<core_parallel>, #tpu.dimension_semantics<subcore_parallel>], iteration_bounds = array<i64: 2, 16>, scalar_prefetch = 0 : i64, scratch_operands = 4 : i64, tpu.core_type = #tpu.core_type<sc_vector_subcore>, window_params = [{transform_indices = #map}, {transform_indices = #map1}, {transform_indices = #map1}]} {
    %mul3A = arith.constant 2 : i32
    %mul3A_0 = arith.muli %arg1, %mul3A : i32
    %add3A = arith.addi %mul3A_0, %arg0 : i32
    %mul3A_1 = arith.constant 128 : i32
    %mul3A_2 = arith.muli %add3A, %mul3A_1 : i32
    "tpu.region"() ({
      %run_scoped3A = tpu.sem_alloc : memref<!tpu.dma_semaphore, #tpu.memory_space<semaphore_mem>>
      %dma_start3A_70 = arith.constant 0 : i32
      %dma_start3A_71 = arith.constant 0 : i32
      %dma_start3A_72 = tpu.memref_slice %arg2[%add3A, %dma_start3A_70, %dma_start3A_71] : memref<32x128x1xi32, #tpu.memory_space<hbm>> -> memref<1x128x1xi32, #tpu.memory_space<hbm>>
      %dma_start3A_73 = tpu.memref_squeeze %dma_start3A_72 : memref<1x128x1xi32, #tpu.memory_space<hbm>> -> memref<128x1xi32, #tpu.memory_space<hbm>>
      %dma_start3A_74 = arith.constant 0 : i32
      %dma_start3A_75 = arith.constant 0 : i32
      %dma_start3A_76 = tpu.memref_slice %arg2[%add3A, %dma_start3A_74, %dma_start3A_75] : memref<32x128x1xi32, #tpu.memory_space<hbm>> -> memref<1x128x1xi32, #tpu.memory_space<hbm>>
      %dma_start3A_77 = tpu.memref_squeeze %dma_start3A_76 : memref<1x128x1xi32, #tpu.memory_space<hbm>> -> memref<128x1xi32, #tpu.memory_space<hbm>>
      tpu.enqueue_dma source(%dma_start3A_77 : memref<128x1xi32, #tpu.memory_space<hbm>>) target(%arg5 : memref<128x1xi32, #tpu.memory_space<vmem>>) target_semaphore(%run_scoped3A : memref<!tpu.dma_semaphore, #tpu.memory_space<semaphore_mem>>)
      %dma_wait3A_78 = arith.constant 0 : i32
      %dma_wait3A_79 = arith.constant 0 : i32
      %dma_wait3A_80 = tpu.memref_slice %arg2[%add3A, %dma_wait3A_78, %dma_wait3A_79] : memref<32x128x1xi32, #tpu.memory_space<hbm>> -> memref<1x128x1xi32, #tpu.memory_space<hbm>>
      %dma_wait3A_81 = tpu.memref_squeeze %dma_wait3A_80 : memref<1x128x1xi32, #tpu.memory_space<hbm>> -> memref<128x1xi32, #tpu.memory_space<hbm>>
      %dma_wait3A_82 = arith.constant 0 : i32
      %dma_wait3A_83 = arith.constant 0 : i32
      %dma_wait3A_84 = tpu.memref_slice %arg2[%add3A, %dma_wait3A_82, %dma_wait3A_83] : memref<32x128x1xi32, #tpu.memory_space<hbm>> -> memref<1x128x1xi32, #tpu.memory_space<hbm>>
      %dma_wait3A_85 = tpu.memref_squeeze %dma_wait3A_84 : memref<1x128x1xi32, #tpu.memory_space<hbm>> -> memref<128x1xi32, #tpu.memory_space<hbm>>
      tpu.wait_dma2 semaphore(%run_scoped3A : memref<!tpu.dma_semaphore, #tpu.memory_space<semaphore_mem>>) src(%dma_wait3A_85 : memref<128x1xi32, #tpu.memory_space<hbm>>) dst(%arg5 : memref<128x1xi32, #tpu.memory_space<vmem>>)
      tpu.yield
    }) : () -> ()
    %dma_start3A = arith.constant 0 : i32
    %dma_start3A_3 = arith.constant 0 : i32
    %dma_start3A_4 = arith.constant 0 : i32
    %dma_start3A_5 = arith.constant 0 : i32
    %dma_start3A_6 = arith.constant 0 : i32
    %dma_start3A_7 = arith.constant 0 : i32
    %dma_start3A_8 = tpu.memref_slice %arg6[%dma_start3A_3, %dma_start3A_4, %dma_start3A_5, %dma_start3A_6, %dma_start3A_7] : memref<2x1x77x1x512xf32, #tpu.memory_space<vmem>> -> memref<1x1x77x1x512xf32, #tpu.memory_space<vmem>>
    %dma_start3A_9 = tpu.memref_squeeze %dma_start3A_8 : memref<1x1x77x1x512xf32, #tpu.memory_space<vmem>> -> memref<1x77x1x512xf32, #tpu.memory_space<vmem>>
    %dma_start3A_10 = arith.constant 0 : i32
    %dma_start3A_11 = tpu.memref_slice %arg5[%dma_start3A, %dma_start3A_10] : memref<128x1xi32, #tpu.memory_space<vmem>> -> memref<1x1xi32, #tpu.memory_space<vmem>>
    %dma_start3A_12 = tpu.memref_squeeze %dma_start3A_11 : memref<1x1xi32, #tpu.memory_space<vmem>> -> memref<1xi32, #tpu.memory_space<vmem>>
    %dma_start3A_13 = arith.constant 0 : i32
    %dma_start3A_14 = arith.constant 0 : i32
    %dma_start3A_15 = arith.constant 0 : i32
    %dma_start3A_16 = arith.constant 0 : i32
    %dma_start3A_17 = tpu.memref_slice %arg3[%dma_start3A_13, %dma_start3A_14, %dma_start3A_15, %dma_start3A_16] : memref<1000x77x1x512xf32, #tpu.memory_space<hbm>> -> memref<1000x77x1x512xf32, #tpu.memory_space<hbm>>
    tpu.enqueue_indirect_dma source(%dma_start3A_17 : memref<1000x77x1x512xf32, #tpu.memory_space<hbm>>) target(%dma_start3A_9 : memref<1x77x1x512xf32, #tpu.memory_space<vmem>>) offsets(%dma_start3A_12 : memref<1xi32, #tpu.memory_space<vmem>>) semaphore(%arg7 : memref<!tpu.dma_semaphore, #tpu.memory_space<semaphore_mem>>)
    %dma_start3A_18 = arith.constant 1 : i32
    %dma_start3A_19 = arith.constant 1 : i32
    %dma_start3A_20 = arith.constant 0 : i32
    %dma_start3A_21 = arith.constant 0 : i32
    %dma_start3A_22 = arith.constant 0 : i32
    %dma_start3A_23 = arith.constant 0 : i32
    %dma_start3A_24 = tpu.memref_slice %arg6[%dma_start3A_19, %dma_start3A_20, %dma_start3A_21, %dma_start3A_22, %dma_start3A_23] : memref<2x1x77x1x512xf32, #tpu.memory_space<vmem>> -> memref<1x1x77x1x512xf32, #tpu.memory_space<vmem>>
    %dma_start3A_25 = tpu.memref_squeeze %dma_start3A_24 : memref<1x1x77x1x512xf32, #tpu.memory_space<vmem>> -> memref<1x77x1x512xf32, #tpu.memory_space<vmem>>
    %dma_start3A_26 = arith.constant 0 : i32
    %dma_start3A_27 = tpu.memref_slice %arg5[%dma_start3A_18, %dma_start3A_26] : memref<128x1xi32, #tpu.memory_space<vmem>> -> memref<1x1xi32, #tpu.memory_space<vmem>>
    %dma_start3A_28 = tpu.memref_squeeze %dma_start3A_27 : memref<1x1xi32, #tpu.memory_space<vmem>> -> memref<1xi32, #tpu.memory_space<vmem>>
    %dma_start3A_29 = arith.constant 0 : i32
    %dma_start3A_30 = arith.constant 0 : i32
    %dma_start3A_31 = arith.constant 0 : i32
    %dma_start3A_32 = arith.constant 0 : i32
    %dma_start3A_33 = tpu.memref_slice %arg3[%dma_start3A_29, %dma_start3A_30, %dma_start3A_31, %dma_start3A_32] : memref<1000x77x1x512xf32, #tpu.memory_space<hbm>> -> memref<1000x77x1x512xf32, #tpu.memory_space<hbm>>
    tpu.enqueue_indirect_dma source(%dma_start3A_33 : memref<1000x77x1x512xf32, #tpu.memory_space<hbm>>) target(%dma_start3A_25 : memref<1x77x1x512xf32, #tpu.memory_space<vmem>>) offsets(%dma_start3A_28 : memref<1xi32, #tpu.memory_space<vmem>>) semaphore(%arg8 : memref<!tpu.dma_semaphore, #tpu.memory_space<semaphore_mem>>)
    %scan3A = arith.constant 0 : i32
    %scan3A_34 = arith.constant 0 : i32
    %scan3A_35 = arith.constant 64 : i32
    %scan3A_36 = arith.addi %scan3A_34, %scan3A_35 : i32
    %scan3A_37 = arith.constant 1 : i32
    scf.for %scan3A_70 = %scan3A_34 to %scan3A_36 step %scan3A_37  : i32 {
      %mul3A_71 = arith.constant 2 : i32
      %mul3A_72 = arith.muli %mul3A_71, %scan3A_70 : i32
      %add3A_73 = arith.constant 0 : i32
      %add3A_74 = arith.addi %mul3A_72, %add3A_73 : i32
      %dma_wait3A_75 = arith.constant 0 : i32
      %dma_wait3A_76 = arith.constant 0 : i32
      %dma_wait3A_77 = arith.constant 0 : i32
      %dma_wait3A_78 = arith.constant 0 : i32
      %dma_wait3A_79 = arith.constant 0 : i32
      %dma_wait3A_80 = tpu.memref_slice %arg6[%dma_wait3A_75, %dma_wait3A_76, %dma_wait3A_77, %dma_wait3A_78, %dma_wait3A_79] : memref<2x1x77x1x512xf32, #tpu.memory_space<vmem>> -> memref<1x1x77x1x512xf32, #tpu.memory_space<vmem>>
      %dma_wait3A_81 = tpu.memref_squeeze %dma_wait3A_80 : memref<1x1x77x1x512xf32, #tpu.memory_space<vmem>> -> memref<1x77x1x512xf32, #tpu.memory_space<vmem>>
      %dma_wait3A_82 = arith.constant 0 : i32
      %dma_wait3A_83 = tpu.memref_slice %arg5[%add3A_74, %dma_wait3A_82] : memref<128x1xi32, #tpu.memory_space<vmem>> -> memref<1x1xi32, #tpu.memory_space<vmem>>
      %dma_wait3A_84 = tpu.memref_squeeze %dma_wait3A_83 : memref<1x1xi32, #tpu.memory_space<vmem>> -> memref<1xi32, #tpu.memory_space<vmem>>
      %dma_wait3A_85 = arith.constant 0 : i32
      %dma_wait3A_86 = arith.constant 0 : i32
      %dma_wait3A_87 = arith.constant 0 : i32
      %dma_wait3A_88 = arith.constant 0 : i32
      %dma_wait3A_89 = tpu.memref_slice %arg3[%dma_wait3A_85, %dma_wait3A_86, %dma_wait3A_87, %dma_wait3A_88] : memref<1000x77x1x512xf32, #tpu.memory_space<hbm>> -> memref<1000x77x1x512xf32, #tpu.memory_space<hbm>>
      tpu.wait_indirect_dma semaphore(%arg7 : memref<!tpu.dma_semaphore, #tpu.memory_space<semaphore_mem>>) src(%dma_wait3A_89 : memref<1000x77x1x512xf32, #tpu.memory_space<hbm>>) dst(%dma_wait3A_81 : memref<1x77x1x512xf32, #tpu.memory_space<vmem>>)
      %add3A_90 = arith.addi %mul3A_2, %add3A_74 : i32
      %run_scoped3A = arith.constant 0 : i32
      "tpu.region"() ({
        %run_scoped3A_149 = tpu.sem_alloc : memref<!tpu.dma_semaphore, #tpu.memory_space<semaphore_mem>>
        %dma_start3A_150 = arith.constant 0 : i32
        %dma_start3A_151 = arith.constant 0 : i32
        %dma_start3A_152 = arith.constant 0 : i32
        %dma_start3A_153 = arith.constant 0 : i32
        %dma_start3A_154 = tpu.memref_slice %arg6[%run_scoped3A, %dma_start3A_150, %dma_start3A_151, %dma_start3A_152, %dma_start3A_153] : memref<2x1x77x1x512xf32, #tpu.memory_space<vmem>> -> memref<1x1x77x1x512xf32, #tpu.memory_space<vmem>>
        %dma_start3A_155 = tpu.memref_squeeze %dma_start3A_154 : memref<1x1x77x1x512xf32, #tpu.memory_space<vmem>> -> memref<1x77x1x512xf32, #tpu.memory_space<vmem>>
        %dma_start3A_156 = arith.constant 0 : i32
        %dma_start3A_157 = arith.constant 0 : i32
        %dma_start3A_158 = arith.constant 0 : i32
        %dma_start3A_159 = tpu.memref_slice %arg4[%add3A_90, %dma_start3A_156, %dma_start3A_157, %dma_start3A_158] : memref<4096x77x1x512xf32, #tpu.memory_space<hbm>> -> memref<1x77x1x512xf32, #tpu.memory_space<hbm>>
        %dma_start3A_160 = arith.constant 0 : i32
        %dma_start3A_161 = arith.constant 0 : i32
        %dma_start3A_162 = arith.constant 0 : i32
        %dma_start3A_163 = tpu.memref_slice %arg4[%add3A_90, %dma_start3A_160, %dma_start3A_161, %dma_start3A_162] : memref<4096x77x1x512xf32, #tpu.memory_space<hbm>> -> memref<1x77x1x512xf32, #tpu.memory_space<hbm>>
        %dma_start3A_164 = arith.constant 0 : i32
        %dma_start3A_165 = arith.constant 0 : i32
        %dma_start3A_166 = arith.constant 0 : i32
        %dma_start3A_167 = arith.constant 0 : i32
        %dma_start3A_168 = tpu.memref_slice %arg6[%run_scoped3A, %dma_start3A_164, %dma_start3A_165, %dma_start3A_166, %dma_start3A_167] : memref<2x1x77x1x512xf32, #tpu.memory_space<vmem>> -> memref<1x1x77x1x512xf32, #tpu.memory_space<vmem>>
        %dma_start3A_169 = tpu.memref_squeeze %dma_start3A_168 : memref<1x1x77x1x512xf32, #tpu.memory_space<vmem>> -> memref<1x77x1x512xf32, #tpu.memory_space<vmem>>
        tpu.enqueue_dma source(%dma_start3A_169 : memref<1x77x1x512xf32, #tpu.memory_space<vmem>>) target(%dma_start3A_163 : memref<1x77x1x512xf32, #tpu.memory_space<hbm>>) target_semaphore(%run_scoped3A_149 : memref<!tpu.dma_semaphore, #tpu.memory_space<semaphore_mem>>)
        %dma_wait3A_170 = arith.constant 0 : i32
        %dma_wait3A_171 = arith.constant 0 : i32
        %dma_wait3A_172 = arith.constant 0 : i32
        %dma_wait3A_173 = arith.constant 0 : i32
        %dma_wait3A_174 = tpu.memref_slice %arg6[%run_scoped3A, %dma_wait3A_170, %dma_wait3A_171, %dma_wait3A_172, %dma_wait3A_173] : memref<2x1x77x1x512xf32, #tpu.memory_space<vmem>> -> memref<1x1x77x1x512xf32, #tpu.memory_space<vmem>>
        %dma_wait3A_175 = tpu.memref_squeeze %dma_wait3A_174 : memref<1x1x77x1x512xf32, #tpu.memory_space<vmem>> -> memref<1x77x1x512xf32, #tpu.memory_space<vmem>>
        %dma_wait3A_176 = arith.constant 0 : i32
        %dma_wait3A_177 = arith.constant 0 : i32
        %dma_wait3A_178 = arith.constant 0 : i32
        %dma_wait3A_179 = tpu.memref_slice %arg4[%add3A_90, %dma_wait3A_176, %dma_wait3A_177, %dma_wait3A_178] : memref<4096x77x1x512xf32, #tpu.memory_space<hbm>> -> memref<1x77x1x512xf32, #tpu.memory_space<hbm>>
        %dma_wait3A_180 = arith.constant 0 : i32
        %dma_wait3A_181 = arith.constant 0 : i32
        %dma_wait3A_182 = arith.constant 0 : i32
        %dma_wait3A_183 = tpu.memref_slice %arg4[%add3A_90, %dma_wait3A_180, %dma_wait3A_181, %dma_wait3A_182] : memref<4096x77x1x512xf32, #tpu.memory_space<hbm>> -> memref<1x77x1x512xf32, #tpu.memory_space<hbm>>
        %dma_wait3A_184 = arith.constant 0 : i32
        %dma_wait3A_185 = arith.constant 0 : i32
        %dma_wait3A_186 = arith.constant 0 : i32
        %dma_wait3A_187 = arith.constant 0 : i32
        %dma_wait3A_188 = tpu.memref_slice %arg6[%run_scoped3A, %dma_wait3A_184, %dma_wait3A_185, %dma_wait3A_186, %dma_wait3A_187] : memref<2x1x77x1x512xf32, #tpu.memory_space<vmem>> -> memref<1x1x77x1x512xf32, #tpu.memory_space<vmem>>
        %dma_wait3A_189 = tpu.memref_squeeze %dma_wait3A_188 : memref<1x1x77x1x512xf32, #tpu.memory_space<vmem>> -> memref<1x77x1x512xf32, #tpu.memory_space<vmem>>
        tpu.wait_dma2 semaphore(%run_scoped3A_149 : memref<!tpu.dma_semaphore, #tpu.memory_space<semaphore_mem>>) src(%dma_wait3A_189 : memref<1x77x1x512xf32, #tpu.memory_space<vmem>>) dst(%dma_wait3A_183 : memref<1x77x1x512xf32, #tpu.memory_space<hbm>>)
        tpu.yield
      }) : () -> ()
      %add3A_91 = arith.constant 2 : i32
      %add3A_92 = arith.addi %add3A_74, %add3A_91 : i32
      %min3A = arith.constant 127 : i32
      %min3A_93 = arith.minsi %add3A_92, %min3A : i32
      %dma_start3A_94 = arith.constant 0 : i32
      %dma_start3A_95 = arith.constant 0 : i32
      %dma_start3A_96 = arith.constant 0 : i32
      %dma_start3A_97 = arith.constant 0 : i32
      %dma_start3A_98 = arith.constant 0 : i32
      %dma_start3A_99 = tpu.memref_slice %arg6[%dma_start3A_94, %dma_start3A_95, %dma_start3A_96, %dma_start3A_97, %dma_start3A_98] : memref<2x1x77x1x512xf32, #tpu.memory_space<vmem>> -> memref<1x1x77x1x512xf32, #tpu.memory_space<vmem>>
      %dma_start3A_100 = tpu.memref_squeeze %dma_start3A_99 : memref<1x1x77x1x512xf32, #tpu.memory_space<vmem>> -> memref<1x77x1x512xf32, #tpu.memory_space<vmem>>
      %dma_start3A_101 = arith.constant 0 : i32
      %dma_start3A_102 = tpu.memref_slice %arg5[%min3A_93, %dma_start3A_101] : memref<128x1xi32, #tpu.memory_space<vmem>> -> memref<1x1xi32, #tpu.memory_space<vmem>>
      %dma_start3A_103 = tpu.memref_squeeze %dma_start3A_102 : memref<1x1xi32, #tpu.memory_space<vmem>> -> memref<1xi32, #tpu.memory_space<vmem>>
      %dma_start3A_104 = arith.constant 0 : i32
      %dma_start3A_105 = arith.constant 0 : i32
      %dma_start3A_106 = arith.constant 0 : i32
      %dma_start3A_107 = arith.constant 0 : i32
      %dma_start3A_108 = tpu.memref_slice %arg3[%dma_start3A_104, %dma_start3A_105, %dma_start3A_106, %dma_start3A_107] : memref<1000x77x1x512xf32, #tpu.memory_space<hbm>> -> memref<1000x77x1x512xf32, #tpu.memory_space<hbm>>
      tpu.enqueue_indirect_dma source(%dma_start3A_108 : memref<1000x77x1x512xf32, #tpu.memory_space<hbm>>) target(%dma_start3A_100 : memref<1x77x1x512xf32, #tpu.memory_space<vmem>>) offsets(%dma_start3A_103 : memref<1xi32, #tpu.memory_space<vmem>>) semaphore(%arg7 : memref<!tpu.dma_semaphore, #tpu.memory_space<semaphore_mem>>)
      %mul3A_109 = arith.constant 2 : i32
      %mul3A_110 = arith.muli %mul3A_109, %scan3A_70 : i32
      %add3A_111 = arith.constant 1 : i32
      %add3A_112 = arith.addi %mul3A_110, %add3A_111 : i32
      %dma_wait3A_113 = arith.constant 1 : i32
      %dma_wait3A_114 = arith.constant 0 : i32
      %dma_wait3A_115 = arith.constant 0 : i32
      %dma_wait3A_116 = arith.constant 0 : i32
      %dma_wait3A_117 = arith.constant 0 : i32
      %dma_wait3A_118 = tpu.memref_slice %arg6[%dma_wait3A_113, %dma_wait3A_114, %dma_wait3A_115, %dma_wait3A_116, %dma_wait3A_117] : memref<2x1x77x1x512xf32, #tpu.memory_space<vmem>> -> memref<1x1x77x1x512xf32, #tpu.memory_space<vmem>>
      %dma_wait3A_119 = tpu.memref_squeeze %dma_wait3A_118 : memref<1x1x77x1x512xf32, #tpu.memory_space<vmem>> -> memref<1x77x1x512xf32, #tpu.memory_space<vmem>>
      %dma_wait3A_120 = arith.constant 0 : i32
      %dma_wait3A_121 = tpu.memref_slice %arg5[%add3A_112, %dma_wait3A_120] : memref<128x1xi32, #tpu.memory_space<vmem>> -> memref<1x1xi32, #tpu.memory_space<vmem>>
      %dma_wait3A_122 = tpu.memref_squeeze %dma_wait3A_121 : memref<1x1xi32, #tpu.memory_space<vmem>> -> memref<1xi32, #tpu.memory_space<vmem>>
      %dma_wait3A_123 = arith.constant 0 : i32
      %dma_wait3A_124 = arith.constant 0 : i32
      %dma_wait3A_125 = arith.constant 0 : i32
      %dma_wait3A_126 = arith.constant 0 : i32
      %dma_wait3A_127 = tpu.memref_slice %arg3[%dma_wait3A_123, %dma_wait3A_124, %dma_wait3A_125, %dma_wait3A_126] : memref<1000x77x1x512xf32, #tpu.memory_space<hbm>> -> memref<1000x77x1x512xf32, #tpu.memory_space<hbm>>
      tpu.wait_indirect_dma semaphore(%arg8 : memref<!tpu.dma_semaphore, #tpu.memory_space<semaphore_mem>>) src(%dma_wait3A_127 : memref<1000x77x1x512xf32, #tpu.memory_space<hbm>>) dst(%dma_wait3A_119 : memref<1x77x1x512xf32, #tpu.memory_space<vmem>>)
      %add3A_128 = arith.addi %mul3A_2, %add3A_112 : i32
      %run_scoped3A_129 = arith.constant 1 : i32
      "tpu.region"() ({
        %run_scoped3A_149 = tpu.sem_alloc : memref<!tpu.dma_semaphore, #tpu.memory_space<semaphore_mem>>
        %dma_start3A_150 = arith.constant 0 : i32
        %dma_start3A_151 = arith.constant 0 : i32
        %dma_start3A_152 = arith.constant 0 : i32
        %dma_start3A_153 = arith.constant 0 : i32
        %dma_start3A_154 = tpu.memref_slice %arg6[%run_scoped3A_129, %dma_start3A_150, %dma_start3A_151, %dma_start3A_152, %dma_start3A_153] : memref<2x1x77x1x512xf32, #tpu.memory_space<vmem>> -> memref<1x1x77x1x512xf32, #tpu.memory_space<vmem>>
        %dma_start3A_155 = tpu.memref_squeeze %dma_start3A_154 : memref<1x1x77x1x512xf32, #tpu.memory_space<vmem>> -> memref<1x77x1x512xf32, #tpu.memory_space<vmem>>
        %dma_start3A_156 = arith.constant 0 : i32
        %dma_start3A_157 = arith.constant 0 : i32
        %dma_start3A_158 = arith.constant 0 : i32
        %dma_start3A_159 = tpu.memref_slice %arg4[%add3A_128, %dma_start3A_156, %dma_start3A_157, %dma_start3A_158] : memref<4096x77x1x512xf32, #tpu.memory_space<hbm>> -> memref<1x77x1x512xf32, #tpu.memory_space<hbm>>
        %dma_start3A_160 = arith.constant 0 : i32
        %dma_start3A_161 = arith.constant 0 : i32
        %dma_start3A_162 = arith.constant 0 : i32
        %dma_start3A_163 = tpu.memref_slice %arg4[%add3A_128, %dma_start3A_160, %dma_start3A_161, %dma_start3A_162] : memref<4096x77x1x512xf32, #tpu.memory_space<hbm>> -> memref<1x77x1x512xf32, #tpu.memory_space<hbm>>
        %dma_start3A_164 = arith.constant 0 : i32
        %dma_start3A_165 = arith.constant 0 : i32
        %dma_start3A_166 = arith.constant 0 : i32
        %dma_start3A_167 = arith.constant 0 : i32
        %dma_start3A_168 = tpu.memref_slice %arg6[%run_scoped3A_129, %dma_start3A_164, %dma_start3A_165, %dma_start3A_166, %dma_start3A_167] : memref<2x1x77x1x512xf32, #tpu.memory_space<vmem>> -> memref<1x1x77x1x512xf32, #tpu.memory_space<vmem>>
        %dma_start3A_169 = tpu.memref_squeeze %dma_start3A_168 : memref<1x1x77x1x512xf32, #tpu.memory_space<vmem>> -> memref<1x77x1x512xf32, #tpu.memory_space<vmem>>
        tpu.enqueue_dma source(%dma_start3A_169 : memref<1x77x1x512xf32, #tpu.memory_space<vmem>>) target(%dma_start3A_163 : memref<1x77x1x512xf32, #tpu.memory_space<hbm>>) target_semaphore(%run_scoped3A_149 : memref<!tpu.dma_semaphore, #tpu.memory_space<semaphore_mem>>)
        %dma_wait3A_170 = arith.constant 0 : i32
        %dma_wait3A_171 = arith.constant 0 : i32
        %dma_wait3A_172 = arith.constant 0 : i32
        %dma_wait3A_173 = arith.constant 0 : i32
        %dma_wait3A_174 = tpu.memref_slice %arg6[%run_scoped3A_129, %dma_wait3A_170, %dma_wait3A_171, %dma_wait3A_172, %dma_wait3A_173] : memref<2x1x77x1x512xf32, #tpu.memory_space<vmem>> -> memref<1x1x77x1x512xf32, #tpu.memory_space<vmem>>
        %dma_wait3A_175 = tpu.memref_squeeze %dma_wait3A_174 : memref<1x1x77x1x512xf32, #tpu.memory_space<vmem>> -> memref<1x77x1x512xf32, #tpu.memory_space<vmem>>
        %dma_wait3A_176 = arith.constant 0 : i32
        %dma_wait3A_177 = arith.constant 0 : i32
        %dma_wait3A_178 = arith.constant 0 : i32
        %dma_wait3A_179 = tpu.memref_slice %arg4[%add3A_128, %dma_wait3A_176, %dma_wait3A_177, %dma_wait3A_178] : memref<4096x77x1x512xf32, #tpu.memory_space<hbm>> -> memref<1x77x1x512xf32, #tpu.memory_space<hbm>>
        %dma_wait3A_180 = arith.constant 0 : i32
        %dma_wait3A_181 = arith.constant 0 : i32
        %dma_wait3A_182 = arith.constant 0 : i32
        %dma_wait3A_183 = tpu.memref_slice %arg4[%add3A_128, %dma_wait3A_180, %dma_wait3A_181, %dma_wait3A_182] : memref<4096x77x1x512xf32, #tpu.memory_space<hbm>> -> memref<1x77x1x512xf32, #tpu.memory_space<hbm>>
        %dma_wait3A_184 = arith.constant 0 : i32
        %dma_wait3A_185 = arith.constant 0 : i32
        %dma_wait3A_186 = arith.constant 0 : i32
        %dma_wait3A_187 = arith.constant 0 : i32
        %dma_wait3A_188 = tpu.memref_slice %arg6[%run_scoped3A_129, %dma_wait3A_184, %dma_wait3A_185, %dma_wait3A_186, %dma_wait3A_187] : memref<2x1x77x1x512xf32, #tpu.memory_space<vmem>> -> memref<1x1x77x1x512xf32, #tpu.memory_space<vmem>>
        %dma_wait3A_189 = tpu.memref_squeeze %dma_wait3A_188 : memref<1x1x77x1x512xf32, #tpu.memory_space<vmem>> -> memref<1x77x1x512xf32, #tpu.memory_space<vmem>>
        tpu.wait_dma2 semaphore(%run_scoped3A_149 : memref<!tpu.dma_semaphore, #tpu.memory_space<semaphore_mem>>) src(%dma_wait3A_189 : memref<1x77x1x512xf32, #tpu.memory_space<vmem>>) dst(%dma_wait3A_183 : memref<1x77x1x512xf32, #tpu.memory_space<hbm>>)
        tpu.yield
      }) : () -> ()
      %add3A_130 = arith.constant 2 : i32
      %add3A_131 = arith.addi %add3A_112, %add3A_130 : i32
      %min3A_132 = arith.constant 127 : i32
      %min3A_133 = arith.minsi %add3A_131, %min3A_132 : i32
      %dma_start3A_134 = arith.constant 1 : i32
      %dma_start3A_135 = arith.constant 0 : i32
      %dma_start3A_136 = arith.constant 0 : i32
      %dma_start3A_137 = arith.constant 0 : i32
      %dma_start3A_138 = arith.constant 0 : i32
      %dma_start3A_139 = tpu.memref_slice %arg6[%dma_start3A_134, %dma_start3A_135, %dma_start3A_136, %dma_start3A_137, %dma_start3A_138] : memref<2x1x77x1x512xf32, #tpu.memory_space<vmem>> -> memref<1x1x77x1x512xf32, #tpu.memory_space<vmem>>
      %dma_start3A_140 = tpu.memref_squeeze %dma_start3A_139 : memref<1x1x77x1x512xf32, #tpu.memory_space<vmem>> -> memref<1x77x1x512xf32, #tpu.memory_space<vmem>>
      %dma_start3A_141 = arith.constant 0 : i32
      %dma_start3A_142 = tpu.memref_slice %arg5[%min3A_133, %dma_start3A_141] : memref<128x1xi32, #tpu.memory_space<vmem>> -> memref<1x1xi32, #tpu.memory_space<vmem>>
      %dma_start3A_143 = tpu.memref_squeeze %dma_start3A_142 : memref<1x1xi32, #tpu.memory_space<vmem>> -> memref<1xi32, #tpu.memory_space<vmem>>
      %dma_start3A_144 = arith.constant 0 : i32
      %dma_start3A_145 = arith.constant 0 : i32
      %dma_start3A_146 = arith.constant 0 : i32
      %dma_start3A_147 = arith.constant 0 : i32
      %dma_start3A_148 = tpu.memref_slice %arg3[%dma_start3A_144, %dma_start3A_145, %dma_start3A_146, %dma_start3A_147] : memref<1000x77x1x512xf32, #tpu.memory_space<hbm>> -> memref<1000x77x1x512xf32, #tpu.memory_space<hbm>>
      tpu.enqueue_indirect_dma source(%dma_start3A_148 : memref<1000x77x1x512xf32, #tpu.memory_space<hbm>>) target(%dma_start3A_140 : memref<1x77x1x512xf32, #tpu.memory_space<vmem>>) offsets(%dma_start3A_143 : memref<1xi32, #tpu.memory_space<vmem>>) semaphore(%arg8 : memref<!tpu.dma_semaphore, #tpu.memory_space<semaphore_mem>>)
    }
    %scan3A_38 = arith.constant 64 : i32
    %dma_wait3A = arith.constant 127 : i32
    %dma_wait3A_39 = arith.constant 0 : i32
    %dma_wait3A_40 = arith.constant 0 : i32
    %dma_wait3A_41 = arith.constant 0 : i32
    %dma_wait3A_42 = arith.constant 0 : i32
    %dma_wait3A_43 = arith.constant 0 : i32
    %dma_wait3A_44 = tpu.memref_slice %arg6[%dma_wait3A_39, %dma_wait3A_40, %dma_wait3A_41, %dma_wait3A_42, %dma_wait3A_43] : memref<2x1x77x1x512xf32, #tpu.memory_space<vmem>> -> memref<1x1x77x1x512xf32, #tpu.memory_space<vmem>>
    %dma_wait3A_45 = tpu.memref_squeeze %dma_wait3A_44 : memref<1x1x77x1x512xf32, #tpu.memory_space<vmem>> -> memref<1x77x1x512xf32, #tpu.memory_space<vmem>>
    %dma_wait3A_46 = arith.constant 0 : i32
    %dma_wait3A_47 = tpu.memref_slice %arg5[%dma_wait3A, %dma_wait3A_46] : memref<128x1xi32, #tpu.memory_space<vmem>> -> memref<1x1xi32, #tpu.memory_space<vmem>>
    %dma_wait3A_48 = tpu.memref_squeeze %dma_wait3A_47 : memref<1x1xi32, #tpu.memory_space<vmem>> -> memref<1xi32, #tpu.memory_space<vmem>>
    %dma_wait3A_49 = arith.constant 0 : i32
    %dma_wait3A_50 = arith.constant 0 : i32
    %dma_wait3A_51 = arith.constant 0 : i32
    %dma_wait3A_52 = arith.constant 0 : i32
    %dma_wait3A_53 = tpu.memref_slice %arg3[%dma_wait3A_49, %dma_wait3A_50, %dma_wait3A_51, %dma_wait3A_52] : memref<1000x77x1x512xf32, #tpu.memory_space<hbm>> -> memref<1000x77x1x512xf32, #tpu.memory_space<hbm>>
    tpu.wait_indirect_dma semaphore(%arg7 : memref<!tpu.dma_semaphore, #tpu.memory_space<semaphore_mem>>) src(%dma_wait3A_53 : memref<1000x77x1x512xf32, #tpu.memory_space<hbm>>) dst(%dma_wait3A_45 : memref<1x77x1x512xf32, #tpu.memory_space<vmem>>)
    %dma_wait3A_54 = arith.constant 127 : i32
    %dma_wait3A_55 = arith.constant 1 : i32
    %dma_wait3A_56 = arith.constant 0 : i32
    %dma_wait3A_57 = arith.constant 0 : i32
    %dma_wait3A_58 = arith.constant 0 : i32
    %dma_wait3A_59 = arith.constant 0 : i32
    %dma_wait3A_60 = tpu.memref_slice %arg6[%dma_wait3A_55, %dma_wait3A_56, %dma_wait3A_57, %dma_wait3A_58, %dma_wait3A_59] : memref<2x1x77x1x512xf32, #tpu.memory_space<vmem>> -> memref<1x1x77x1x512xf32, #tpu.memory_space<vmem>>
    %dma_wait3A_61 = tpu.memref_squeeze %dma_wait3A_60 : memref<1x1x77x1x512xf32, #tpu.memory_space<vmem>> -> memref<1x77x1x512xf32, #tpu.memory_space<vmem>>
    %dma_wait3A_62 = arith.constant 0 : i32
    %dma_wait3A_63 = tpu.memref_slice %arg5[%dma_wait3A_54, %dma_wait3A_62] : memref<128x1xi32, #tpu.memory_space<vmem>> -> memref<1x1xi32, #tpu.memory_space<vmem>>
    %dma_wait3A_64 = tpu.memref_squeeze %dma_wait3A_63 : memref<1x1xi32, #tpu.memory_space<vmem>> -> memref<1xi32, #tpu.memory_space<vmem>>
    %dma_wait3A_65 = arith.constant 0 : i32
    %dma_wait3A_66 = arith.constant 0 : i32
    %dma_wait3A_67 = arith.constant 0 : i32
    %dma_wait3A_68 = arith.constant 0 : i32
    %dma_wait3A_69 = tpu.memref_slice %arg3[%dma_wait3A_65, %dma_wait3A_66, %dma_wait3A_67, %dma_wait3A_68] : memref<1000x77x1x512xf32, #tpu.memory_space<hbm>> -> memref<1000x77x1x512xf32, #tpu.memory_space<hbm>>
    tpu.wait_indirect_dma semaphore(%arg8 : memref<!tpu.dma_semaphore, #tpu.memory_space<semaphore_mem>>) src(%dma_wait3A_69 : memref<1000x77x1x512xf32, #tpu.memory_space<hbm>>) dst(%dma_wait3A_61 : memref<1x77x1x512xf32, #tpu.memory_space<vmem>>)
    return
  }
}

</mosaic_0001>

<sc_bundles>
// kernel: kernel.3.cloned.1.call-start
scs
__scs_entry_jumppad:
0x0: {  	(pc) =	sbr.rel $0x88, $3  }
0x1: {  	(tag) =	ssettag $0x0;
	lr =	simm.s32 $0x1  }
0x2: {  	[smem:$0x3F9D] =	sst lr;
	_ =	strace $0xD0000000  }
0x3: {  	_ = 	snop  }
0x4: {  	_ = 	snop  }
0x5: {  	_ = 	snop  }
0x6: {  	_ = 	snop  }
0x7: {  	_ = 	snop  }
__scs_overlays_trampoline_lowered:
0x8: {  	[smem:$0x3FAC] =	sst s0  }
0x9: {  	[smem:$0x3FAD] =	sst s1  }
0xa: {  	[smem:$0x3FAE] =	sst s2  }
0xb: {  	[smem:$0x3FAF] =	sst s3  }
0xc: {  	[smem:$0x3FB0] =	sst s4  }
0xd: {  	[smem:$0x3FB1] =	sst s5  }
0xe: {  	[smem:$0x3FB2] =	sst s6  }
0xf: {  	[smem:$0x3FB3] =	sst s7  }
0x10: {  	[smem:$0x3FB4] =	sst s8  }
0x11: {  	[smem:$0x3FB5] =	sst s9;
	s0 =	simm.s32 @!p0 $0x0  }
0x12: {  	s1 =	sld [smem:$0x3F9B];
	s0 =	simm.s32 @p0 $0x1  }
0x13: {  	[smem:$0x3FB6] =	sst s0;
	s0 =	simm.s32 @!p1 $0x0  }
0x14: {  	s2 =	sld [smem:$0x3F9A];
	s0 =	simm.s32 @p1 $0x1  }
0x15: {  	[smem:$0x3FB7] =	sst s0;
	s0 =	simm.s32 @!p2 $0x0  }
0x16: {  	s3 =	sld [smem:$0x3FDB];
	s0 =	simm.s32 @p2 $0x1  }
0x17: {  	s4 =	simm.s32 $0x1BF5;
	[smem:$0x3FB9] =	sst s0  }
0x18: {  	s0 =	sld [smem:$0x3F9C];
	_ =	swait.ge [sflag:s4], $0x0  }
0x19: {  	s7 =	sld [smem:$0x3F9D]  }
0x1a: {  	s8 =	sadd.s32 $0xFFFFE003, lr  }
0x1b: {  	s9 =	sadd.s32 $0xFFFFFEF7, lr;
	s5 =	simm.s32 $0xFFFFFFFF;
	p2 =	slt.u32 s8, $0xFFFFF086  }
0x1c: {  	p1 =	slt.u32 s9, $0xF7A;
	s5 =	simm.s32 @!p2 $0x0  }
0x1d: {  	s5 =	simm.s32 @p1 $0x1;
	p0 =	seq.s32 s7, s2  }
0x1e: {  	s7 =	smul.u32 @!p0 $0xF7A, s2;
	p2 =	seq.s32 @!p0 s5, $0x0  }
0x1f: {  	s9 =	smul.u32 $0xF7A, s1;
	s8 =	simm.s32 @!p0 $0x1BF5;
	p2 =	por !p2, p0  }
0x20: {  	[sflag:s8] =	ssyncset.s32 @!p0 $0xFFFFF086;
	s6 =	sadd.s32 @!p0 s3, s7;
	s7 =	simm.s32 @!p0 $0x108  }
0x21: {  	s3 =	sadd.s32 s3, s9;
	s6 =	sadd.s32 @!p0 $0x88, s6;
	s7 =	simm.s32 @p2 $0x1082  }
0x22: {  	[simem:s7], [sflag:s8] =	dma.local @!p0 [hbm:s6], $0xF7A  }
0x23: {  	s9 =	sor.u32 $0xD0000000, s2;
	s6 =	simm.s32 $0x108;
	_ =	swait.ge @!p0 [sflag:s8], $0x0  }
0x24: {  	s3 =	sadd.s32 $0x88, s3;
	s6 =	simm.s32 @!p1 $0x1082;
	[sflag:s4] =	ssyncset.s32 $0xFFFFF086  }
0x25: {  	[simem:s6], [sflag:s4] =	dma.local [hbm:s3], $0xF7A  }
0x26: {  	[smem:$0x3F9D] =	sst s1;
	(tag) =	ssettag s2;
	_ =	strace s9  }
0x27: {  	s1 =	sld [smem:$0x3FAD]  }
0x28: {  	s2 =	sld [smem:$0x3FAE]  }
0x29: {  	s4 =	sld [smem:$0x3FB0]  }
0x2a: {  	p0 =	seq.s32 s5, $0x0;
	s5 =	sld [smem:$0x3FB1]  }
0x2b: {  	s6 =	sld [smem:$0x3FB2]  }
0x2c: {  	s7 =	sld [smem:$0x3FB3]  }
0x2d: {  	s3 =	simm.s32 $0x108;
	s8 =	sld [smem:$0x3FB4]  }
0x2e: {  	s3 =	simm.s32 @!p0 $0x1082;
	s9 =	sld [smem:$0x3FB5]  }
0x2f: {  	lr =	sadd.s32 s0, s3;
	s0 =	sld [smem:$0x3FAC]  }
0x30: {  	s3 =	sld [smem:$0x3FAF]  }
0x31: {  	[smem:$0x3FB8] =	sst s10  }
0x32: {  	s10 =	sld [smem:$0x3FB6];
	_ =	sdelay $0x3  }
0x33: {  	p0 =	seq.s32 s10, $0x1;
	s10 =	sld [smem:$0x3FB8];
	_ =	sdelay $0x3  }
0x34: {  	[smem:$0x3FB8] =	sst s10  }
0x35: {  	s10 =	sld [smem:$0x3FB7];
	_ =	sdelay $0x3  }
0x36: {  	p1 =	seq.s32 s10, $0x1;
	s10 =	sld [smem:$0x3FB8];
	_ =	sdelay $0x3  }
0x37: {  	[smem:$0x3FB8] =	sst s10  }
0x38: {  	s10 =	sld [smem:$0x3FB9]  }
0x39: {  	_ = 	snop;
	(pc) =	sbr.ind lr, $3  }
0x3a: {  	_ = 	snop  }
0x3b: {  	_ = 	snop  }
0x3c: {  	p2 =	seq.s32 s10, $0x1;
	s10 =	sld [smem:$0x3FB8]  }
0x3d: {  	_ =	shalt  }
0x3e: {  	_ =	shalt  }
0x3f: {  	_ =	shalt  }
0x40: {  	_ =	shalt  }
0x41: {  	_ =	shalt  }
0x42: {  	_ =	shalt  }
0x43: {  	_ =	shalt  }
0x44: {  	_ =	shalt  }
0x45: {  	_ =	shalt  }
0x46: {  	_ =	shalt  }
0x47: {  	_ =	shalt  }
0x48: {  	_ =	shalt  }
0x49: {  	_ =	shalt  }
0x4a: {  	_ =	shalt  }
0x4b: {  	_ =	shalt  }
0x4c: {  	_ =	shalt  }
0x4d: {  	_ =	shalt  }
0x4e: {  	_ =	shalt  }
0x4f: {  	_ =	shalt  }
0x50: {  	_ =	shalt  }
0x51: {  	_ =	shalt  }
0x52: {  	_ =	shalt  }
0x53: {  	_ =	shalt  }
0x54: {  	_ =	shalt  }
0x55: {  	_ =	shalt  }
0x56: {  	_ =	shalt  }
0x57: {  	_ =	shalt  }
0x58: {  	_ =	shalt  }
0x59: {  	_ =	shalt  }
0x5a: {  	_ =	shalt  }
0x5b: {  	_ =	shalt  }
0x5c: {  	_ =	shalt  }
0x5d: {  	_ =	shalt  }
0x5e: {  	_ =	shalt  }
0x5f: {  	_ =	shalt  }
0x60: {  	_ =	shalt  }
0x61: {  	_ =	shalt  }
0x62: {  	_ =	shalt  }
0x63: {  	_ =	shalt  }
0x64: {  	_ =	shalt  }
0x65: {  	_ =	shalt  }
0x66: {  	_ =	shalt  }
0x67: {  	_ =	shalt  }
0x68: {  	_ =	shalt  }
0x69: {  	_ =	shalt  }
0x6a: {  	_ =	shalt  }
0x6b: {  	_ =	shalt  }
0x6c: {  	_ =	shalt  }
0x6d: {  	_ =	shalt  }
0x6e: {  	_ =	shalt  }
0x6f: {  	_ =	shalt  }
0x70: {  	_ =	shalt  }
0x71: {  	_ =	shalt  }
0x72: {  	_ =	shalt  }
0x73: {  	_ =	shalt  }
0x74: {  	_ =	shalt  }
0x75: {  	_ =	shalt  }
0x76: {  	_ =	shalt  }
0x77: {  	_ =	shalt  }
0x78: {  	_ =	shalt  }
0x79: {  	_ =	shalt  }
0x7a: {  	_ =	shalt  }
0x7b: {  	_ =	shalt  }
0x7c: {  	_ =	shalt  }
0x7d: {  	_ =	shalt  }
0x7e: {  	_ =	shalt  }
0x7f: {  	_ =	shalt  }
0x80: {  	_ =	shalt  }
0x81: {  	_ =	shalt  }
0x82: {  	_ =	shalt  }
0x83: {  	_ =	shalt  }
0x84: {  	_ =	shalt  }
0x85: {  	_ =	shalt  }
0x86: {  	_ =	shalt  }
0x87: {  	_ =	shalt  }
.Lfunc_end0:
.L_simem_size_0:
called_computation.1_lowered:
.L_overlay_start_0:
0x88: {  	s2 =	sld [smem:$0x3FD9]  }
0x89: {  	s3 =	sld [smem:$0x3FFE];
	_ =	sdelay $0x1  }
0x8a: {  	s1 =	srdreg.scid  }
0x8b: {  	s0 =	sand.u32 $0x1, s1  }
0x8c: {  	s17 =	sshll.u32 s0, $0xA;
	s2 =	sadd.s32 s3, s2  }
0x8d: {  	s2 =	sadd.s32 s2, s17  }
0x8e: {  	[smem:$0x3FC4] =	sst s2  }
0x8f: {  	_ = 	snop  }
0x90: {  	s2 =	sld [smem:$0x3FD0];
	(tm) =	ssettm $0x1  }
0x91: {  	s18 =	sld [smem:$0x3FFB];
	_ =	sdelay $0x3  }
0x92: {  	_ =	strace s18  }
0x93: {  	s3 =	sld [smem:$0x3FFC];
	_ =	sdelay $0x3  }
0x94: {  	_ =	strace s3  }
0x95: {  	s3 =	sld [smem:$0x3FFD];
	_ =	sdelay $0x3  }
0x96: {  	_ =	strace s3  }
0x97: {  	_ =	strace $0x8FFFFFFF  }
0x98: {  	s19 =	sld [smem:$0x3FDB];
	_ =	sdelay $0x1  }
0x99: {  	s4 =	simm.s32 $_scs_section_size  }
0x9a: {  	s5 =	simm.s32 $_size__tile_overlayer_lowered;
	s6 =	simm.s32 $_tile_overlayer_lowered  }
0x9b: {  	s22 =	simm.s32 $0x1BFF;
	s21 =	sshll.u32 s6, $0x1;
	s3 =	sadd.s32 s4, s19  }
0x9c: {  	s7 =	simm.s32 $0x0;
	s20 =	sshll.u32 s5, $0x1;
	s5 =	sadd.s32 s21, s3  }
0x9d: {  	[timem:s7], [sflag:s22] =	dma.local [hbm:s5], s20  }
0x9e: {  	_ =	swait.ge [sflag:s22], s20  }
0x9f: {  	s4 =	ssub.s32 $0x0, s20;
	[sflag:s22] =	ssyncset.done $0x0  }
0xa0: {  	[sflag:s22] =	ssyncadd.s32 s4;
	_ =	sdelay $0x1  }
0xa1: {  	s23 =	simm.s32 $0x1B8B  }
0xa2: {  	_ =	swait.ge [sflag:s23], $0x1  }
0xa3: {  	[sflag:s23] =	ssyncset.done $0x0  }
0xa4: {  	s25 =	simm.s32 $0x1B8E;
	s24 =	sld [smem:$0x3FFE];
	[sflag:s23] =	ssyncadd.s32 $0xFFFFFFFF  }
0xa5: {  	s26 =	simm.s32 $execute0_lowered;
	[smem:$0x3FD2] =	sst s25  }
0xa6: {  	s5 =	sshll.u32 s26, $0x1;
	_ =	strace $0x80000049;
	[dreg:$0x1] =	wrdreg $0xFFFFFFFF  }
0xa7: {  	s28 =	simm.s32 $_size_execute0_lowered;
	s3 =	sadd.s32 s3, s5;
	[dreg:$0x0] =	wrdreg $0x0  }
0xa8: {  	s5 =	sshll.u32 s28, $0x1;
	[dreg:$0x2] =	wrdreg s3  }
0xa9: {  	[dreg:$0x3] =	wrdreg s5  }
0xaa: {  	[dreg:$0x4] =	wrdreg $0xC0  }
0xab: {  	_ =	task [dreg:s7], $0x5FFFF  }
0xac: {  	[dreg:$0x1] =	wrdreg $0xFFFFFFFF  }
0xad: {  	[dreg:$0x0] =	wrdreg $0x60  }
0xae: {  	[dreg:$0x2] =	wrdreg s24  }
0xaf: {  	[dreg:$0x3] =	wrdreg s2  }
0xb0: {  	[dreg:$0x4] =	wrdreg $0x9  }
0xb1: {  	_ =	task.clear_ibuf [dreg:s7], $0x5FFFF;
	_ =	strace $0x90000049  }
0xb2: {  	s29 =	simm.s32 $0x9;
	_ =	strace $0x8000004B  }
0xb3: {  	_ =	swait.ge [sflag:s29], $0x1  }
0xb4: {  	[sflag:s29] =	ssyncadd.s32 $0xFFFFFFFF  }
0xb5: {  	_ =	strace $0x9000004B  }
0xb6: {  	_ =	sfence  }
0xb7: {  	s30 =	sld [smem:$0x0];
	_ =	sdelay $0x2  }
0xb8: {  	s31 =	sshll.u32 s1, $0xD;
	s1 =	sshrl.u32 s1, $0x2  }
0xb9: {  	s3 =	sand.u32 $0x4000, s31;
	s1 =	sadd.s32 s1, s30  }
0xba: {  	s0 =	sor.u32 s3, s0;
	s1 =	sshll.u32 s1, $0x11  }
0xbb: {  	s0 =	sor.u32 s1, s0  }
0xbc: {  	s0 =	sadd.s32 $0x8F2B, s0  }
0xbd: {  	[sflag:s0] =	ssyncadd.remote.s32 $0x1  }
0xbe: {  	_ =	sfence.sel $0xFFFF  }
0xbf: {  	[dreg:$0x0] =	wrdreg $0xFFFFFFFF;
	(pc) =	sbr.abs _section_cstart, $3  }
0xc0: {  	[dreg:$0x1] =	wrdreg $0xFFFFFFFF  }
0xc1: {  	_ =	task.clear_ibuf [dreg:s7], $0x2FFFF;
	_ =	strace $0x9FFFFFFF  }
0xc2: {  	(tm) =	ssettm $0x7FFFFFFF  }
0xc3: {  	_ =	shalt  }
tec
execute0_lowered:
.L_overlay_start_1:
0x0: {  	(tag) =	ssettag $0x1  }
0x1: {  	s4 =	rddreg [dreg:$0x0];
	s1 =	srdreg.scid  }
0x2: {  	s0 =	stileid.u32;
	s2 =	rddreg [dreg:$0x1];
	s3 =	simm.s32 $0x0  }
0x3: {  	s13 =	simm.s32 $0x4000;
	s14 =	simm.s32 $0x80;
	s15 =	simm.s32 $0xDA00  }
0x4: {  	s16 =	simm.s32 $0x2;
	s17 =	simm.s32 $0x3F00;
	s18 =	simm.s32 $0x3F80  }
0x5: {  	s19 =	simm.s32 $0x0;
	s6 =	sand.u32 $0x1, s1;
	s1 =	rddreg [dreg:$0x2]  }
0x6: {  	s5 =	sshll.u32 s0, $0x1;
	[smem:$0x7FF] =	sst s3;
	s31 =	smul.u32 $0x134000, s0  }
0x7: {  	s9 =	sadd.s32 $0x3BA400, s4;
	s5 =	sor.u32 s6, s5;
	s11 =	smul.u32 $0x9A000, s6  }
0x8: {  	_ =	strace $0x8000004A;
	s8 =	ssub.s32 $0x2, s6;
	s10 =	smul.u32 $0x9A000, s5  }
0x9: {  	s7 =	sshll.u32 s5, $0xB;
	s29 =	sshrl.u32 s8, $0x1;
	s12 =	sadd.s32 s31, s9  }
0xa: {  	s7 =	sadd.s32 s7, s4;
	s30 =	ssub.s32 s8, s29;
	s10 =	sadd.s32 s9, s10  }
0xb: {  	s4 =	sadd.s32 $0x3AA400, s7;
	s5 =	smax.u32 s30, $0x1;
	s6 =	sadd.s32 $0x97980, s10  }
0xc: {  	s7 =	sadd.s32 $0x98CC0, s10;
	s8 =	sadd.s32 $0x95300, s10;
	s9 =	sadd.s32 $0x96640, s10  }
0xd: {  	s10 =	sadd.s32 s11, s12;
	s11 =	simm.s32 $0x3;
	s12 =	simm.s32 $0x1  }
.LBB2_1:
0xe: {  	[tilespmem:s3], [sflag:$0x3] =	stream.linear.gather [hbm4b:s4+s3], $0x4000, $0x38;
	[tilespmem:$0x17400] =	vst v63  }
0xf: {  	_ =	swait.ge [sflag:s11], $0x4000  }
0x10: {  	[sflag:s11] =	ssyncset.done $0x0  }
0x11: {  	[sflag:s11] =	ssyncadd.s32 $0xFFFFC000  }
0x12: {  	[tilespmem:s13], [sflag:$0x1] =	stream.indirect.gather [hbm4b:s2+s12], $0x9A00, s3, s12, $0xb8;
	[tilespmem:$0x17400] =	vst v63  }
0x13: {  	_ = 	snop  }
0x14: {  	[tilespmem:s15], [sflag:$0x2] =	stream.indirect.gather [hbm4b:s2+s12], $0x9A00, s14, s12, $0xb8;
	[tilespmem:$0x17400] =	vst v63  }
0x15: {  	_ =	swait.ge [sflag:s12], $0x9A00  }
0x16: {  	[sflag:s12] =	ssyncset.done $0x0  }
0x17: {  	s20 =	sadd.s32 $0x0, s10;
	[sflag:s12] =	ssyncadd.s32 $0xFFFF6600  }
0x18: {  	[hbm4b:s20+s3] =	stream.linear.scatter [tilespmem:s13], [sflag:$0x3], $0x9A00, $0x38;
	[tilespmem:$0x17400] =	vst v63  }
0x19: {  	_ =	swait.ge [sflag:s11], $0x9A00  }
0x1a: {  	[sflag:s11] =	ssyncset.done $0x0  }
0x1b: {  	s21 =	simm.s32 $0x100;
	[sflag:s11] =	ssyncadd.s32 $0xFFFF6600  }
0x1c: {  	[tilespmem:s13], [sflag:$0x1] =	stream.indirect.gather [hbm4b:s2+s12], $0x9A00, s21, s12, $0xb8;
	[tilespmem:$0x17400] =	vst v63  }
0x1d: {  	_ =	swait.ge [sflag:s16], $0x9A00  }
0x1e: {  	[sflag:s16] =	ssyncset.done $0x0  }
0x1f: {  	s20 =	sadd.s32 $0x1340, s20;
	[sflag:s16] =	ssyncadd.s32 $0xFFFF6600  }
0x20: {  	[hbm4b:s20+s3] =	stream.linear.scatter [tilespmem:s15], [sflag:$0x3], $0x9A00, $0x38;
	[tilespmem:$0x17400] =	vst v63  }
0x21: {  	_ =	swait.ge [sflag:s11], $0x9A00  }
0x22: {  	s22 =	simm.s32 $0x280;
	[sflag:s11] =	ssyncset.done $0x0  }
0x23: {  	s21 =	simm.s32 $0x2680;
	s20 =	simm.s32 $0x180;
	[sflag:s11] =	ssyncadd.s32 $0xFFFF6600  }
.LBB2_2:
0x24: {  	[tilespmem:s15], [sflag:$0x2] =	stream.indirect.gather [hbm4b:s2+s12], $0x9A00, s20, s12, $0xb8;
	[tilespmem:$0x17400] =	vst v63  }
0x25: {  	s23 =	smov.u32 s21;
	s20 =	smov.u32 s22  }
0x26: {  	p0 =	sne.s32 s21, $0x92C80;
	s21 =	sadd.s32 $0x2680, s21;
	_ =	swait.ge [sflag:s12], $0x9A00  }
0x27: {  	[sflag:s12] =	ssyncset.done $0x0  }
0x28: {  	s23 =	sadd.s32 s23, s10;
	[sflag:s12] =	ssyncadd.s32 $0xFFFF6600  }
0x29: {  	[hbm4b:s23+s3] =	stream.linear.scatter [tilespmem:s13], [sflag:$0x3], $0x9A00, $0x38;
	[tilespmem:$0x17400] =	vst v63  }
0x2a: {  	_ =	swait.ge [sflag:s11], $0x9A00  }
0x2b: {  	[sflag:s11] =	ssyncset.done $0x0  }
0x2c: {  	s24 =	sadd.s32 $0xFFFFFF80, s22;
	[sflag:s11] =	ssyncadd.s32 $0xFFFF6600  }
0x2d: {  	[tilespmem:s13], [sflag:$0x1] =	stream.indirect.gather [hbm4b:s2+s12], $0x9A00, s24, s12, $0xb8;
	[tilespmem:$0x17400] =	vst v63  }
0x2e: {  	_ =	swait.ge [sflag:s16], $0x9A00  }
0x2f: {  	[sflag:s16] =	ssyncset.done $0x0  }
.Ltmp0:
0x30: {  	s23 =	sadd.s32 $0x1340, s23;
	[sflag:s16] =	ssyncadd.s32 $0xFFFF6600;
	(pc) =	sbr.rel @p0 .LBB2_2-.Ltmp0, $4  }
0x31: {  	[hbm4b:s23+s3] =	stream.linear.scatter [tilespmem:s15], [sflag:$0x3], $0x9A00, $0x38;
	[tilespmem:$0x17400] =	vst v63  }
0x32: {  	_ =	swait.ge [sflag:s11], $0x9A00  }
0x33: {  	[sflag:s11] =	ssyncset.done $0x0  }
0x34: {  	s22 =	sadd.s32 $0x100, s22;
	[sflag:s11] =	ssyncadd.s32 $0xFFFF6600  }
0x35: {  	[tilespmem:s15], [sflag:$0x2] =	stream.indirect.gather [hbm4b:s2+s12], $0x9A00, s20, s12, $0xb8;
	[tilespmem:$0x17400] =	vst v63  }
0x36: {  	_ =	swait.ge [sflag:s12], $0x9A00  }
0x37: {  	[sflag:s12] =	ssyncset.done $0x0  }
0x38: {  	[sflag:s12] =	ssyncadd.s32 $0xFFFF6600  }
0x39: {  	[hbm4b:s8+s3] =	stream.linear.scatter [tilespmem:s13], [sflag:$0x3], $0x9A00, $0x38;
	[tilespmem:$0x17400] =	vst v63  }
0x3a: {  	_ =	swait.ge [sflag:s11], $0x9A00  }
0x3b: {  	[sflag:s11] =	ssyncset.done $0x0  }
0x3c: {  	[sflag:s11] =	ssyncadd.s32 $0xFFFF6600  }
0x3d: {  	[tilespmem:s13], [sflag:$0x1] =	stream.indirect.gather [hbm4b:s2+s12], $0x9A00, s17, s12, $0xb8;
	[tilespmem:$0x17400] =	vst v63  }
0x3e: {  	_ =	swait.ge [sflag:s16], $0x9A00  }
0x3f: {  	[sflag:s16] =	ssyncset.done $0x0  }
0x40: {  	[sflag:s16] =	ssyncadd.s32 $0xFFFF6600  }
0x41: {  	[hbm4b:s9+s3] =	stream.linear.scatter [tilespmem:s15], [sflag:$0x3], $0x9A00, $0x38;
	[tilespmem:$0x17400] =	vst v63  }
0x42: {  	_ =	swait.ge [sflag:s11], $0x9A00  }
0x43: {  	[sflag:s11] =	ssyncset.done $0x0  }
0x44: {  	[sflag:s11] =	ssyncadd.s32 $0xFFFF6600  }
0x45: {  	[tilespmem:s15], [sflag:$0x2] =	stream.indirect.gather [hbm4b:s2+s12], $0x9A00, s18, s12, $0xb8;
	[tilespmem:$0x17400] =	vst v63  }
0x46: {  	_ =	swait.ge [sflag:s12], $0x9A00  }
0x47: {  	[sflag:s12] =	ssyncset.done $0x0  }
0x48: {  	[sflag:s12] =	ssyncadd.s32 $0xFFFF6600  }
0x49: {  	[hbm4b:s6+s3] =	stream.linear.scatter [tilespmem:s13], [sflag:$0x3], $0x9A00, $0x38;
	[tilespmem:$0x17400] =	vst v63  }
0x4a: {  	_ =	swait.ge [sflag:s11], $0x9A00  }
0x4b: {  	[sflag:s11] =	ssyncset.done $0x0  }
0x4c: {  	[sflag:s11] =	ssyncadd.s32 $0xFFFF6600  }
0x4d: {  	[tilespmem:s13], [sflag:$0x1] =	stream.indirect.gather [hbm4b:s2+s12], $0x9A00, s18, s12, $0xb8;
	[tilespmem:$0x17400] =	vst v63  }
0x4e: {  	_ =	swait.ge [sflag:s16], $0x9A00  }
0x4f: {  	[sflag:s16] =	ssyncset.done $0x0  }
0x50: {  	[sflag:s16] =	ssyncadd.s32 $0xFFFF6600  }
0x51: {  	[hbm4b:s7+s3] =	stream.linear.scatter [tilespmem:s15], [sflag:$0x3], $0x9A00, $0x38;
	[tilespmem:$0x17400] =	vst v63  }
0x52: {  	_ =	swait.ge [sflag:s11], $0x9A00  }
0x53: {  	[sflag:s11] =	ssyncset.done $0x0  }
0x54: {  	s19 =	sadd.s32 $0x1, s19;
	[sflag:s11] =	ssyncadd.s32 $0xFFFF6600  }
0x55: {  	[tilespmem:s15], [sflag:$0x2] =	stream.indirect.gather [hbm4b:s2+s12], $0x9A00, s18, s12, $0xb8;
	[tilespmem:$0x17400] =	vst v63  }
0x56: {  	p0 =	sne.s32 s19, s5;
	_ =	swait.ge [sflag:s12], $0x9A00  }
.Ltmp1:
0x57: {  	[sflag:s12] =	ssyncset.done $0x0;
	(pc) =	sbr.rel @p0 .LBB2_1-.Ltmp1, $4  }
0x58: {  	[sflag:s12] =	ssyncadd.s32 $0xFFFF6600  }
0x59: {  	_ =	swait.ge [sflag:s16], $0x9A00  }
0x5a: {  	[sflag:s16] =	ssyncset.done $0x0  }
0x5b: {  	[sflag:s16] =	ssyncadd.s32 $0xFFFF6600  }
0x5c: {  	_ =	sfence.sel $0x180000  }
0x5d: {  	[bflag:$0x0] =	sbarrier.arrive $0xFFFF  }
0x5e: {  	p0 =	sne.s32 s0, $0x0;
	_ =	strace $0x9000004A  }
0x5f: {  	s0 =	sadd.s32 @!p0 $0x100000, s1;
	[bflag:$0x2] =	sbarrier.arrive $0xFFFF  }
0x60: {  	[sflag:s0] =	ssyncadd.tile.s32 @!p0 $0x1;
	_ =	shalt  }
.Lfunc_end2:
_tile_overlayer_lowered:
.L_overlay_start_2:
0x61: {  	(tag) =	ssettag $0x2  }
0x62: {  	s0 =	rddreg [dreg:$0x0];
	s2 =	stileid.u32  }
0x63: {  	s1 =	rddreg [dreg:$0x1];
	p0 =	sne.s32 s2, $0x0  }
0x64: {  	s3 =	rddreg [dreg:$0x2];
	[bflag:$0x3] =	sbarrier.arrive $0xFFFF;
	s2 =	simm.s32 @!p0 $0x1C03  }
0x65: {  	[timem:s3], [sflag:s2] =	dma.local @!p0 [hbm:s0], s1  }
0x66: {  	s0 =	simm.s32 @!p0 $0x3  }
0x67: {  	_ =	swait.ge @!p0 [sflag:s0], s1  }
0x68: {  	s1 =	ssub.s32 @!p0 $0x0, s1;
	[sflag:s0] =	ssyncset.done @!p0 $0x0  }
0x69: {  	[sflag:s0] =	ssyncadd.s32 @!p0 s1  }
0x6a: {  	[bflag:$0x3] =	sbarrier.arrive $0xFFFF  }
0x6b: {  	_ =	shalt  }

// kernel: sparse-core-data-format-call.cloned.1.call-start
scs
called_computation_lowered:
.L_overlay_start_0:
0x0: {  	s2 =	sld [smem:$0x3FD9]  }
0x1: {  	s3 =	sld [smem:$0x3FFE];
	_ =	sdelay $0x1  }
0x2: {  	s1 =	srdreg.scid  }
0x3: {  	s0 =	sand.u32 $0x1, s1  }
0x4: {  	s18 =	sshll.u32 s0, $0xA;
	s2 =	sadd.s32 s3, s2  }
0x5: {  	s2 =	sadd.s32 s2, s18  }
0x6: {  	[smem:$0x3FC4] =	sst s2  }
0x7: {  	_ = 	snop  }
0x8: {  	s2 =	sld [smem:$0x3FC6];
	(tm) =	ssettm $0x1  }
0x9: {  	s19 =	sld [smem:$0x3FFB];
	_ =	sdelay $0x3  }
0xa: {  	_ =	strace s19  }
0xb: {  	s3 =	sld [smem:$0x3FFC];
	_ =	sdelay $0x3  }
0xc: {  	_ =	strace s3  }
0xd: {  	s3 =	sld [smem:$0x3FFD];
	_ =	sdelay $0x3  }
0xe: {  	_ =	strace s3  }
0xf: {  	_ =	strace $0x8FFFFFFF  }
0x10: {  	s20 =	sld [smem:$0x3FDB];
	_ =	sdelay $0x1  }
0x11: {  	s4 =	simm.s32 $_scs_section_size  }
0x12: {  	s5 =	simm.s32 $_size__tile_overlayer_lowered;
	s6 =	simm.s32 $_tile_overlayer_lowered  }
0x13: {  	s23 =	simm.s32 $0x1BFF;
	s22 =	sshll.u32 s6, $0x1;
	s3 =	sadd.s32 s4, s20  }
0x14: {  	s7 =	simm.s32 $0x0;
	s21 =	sshll.u32 s5, $0x1;
	s5 =	sadd.s32 s22, s3  }
0x15: {  	[timem:s7], [sflag:s23] =	dma.local [hbm:s5], s21  }
0x16: {  	_ =	swait.ge [sflag:s23], s21  }
0x17: {  	s4 =	ssub.s32 $0x0, s21;
	[sflag:s23] =	ssyncset.done $0x0  }
0x18: {  	[sflag:s23] =	ssyncadd.s32 s4;
	_ =	sdelay $0x1  }
0x19: {  	s24 =	simm.s32 $0x1B8B  }
0x1a: {  	_ =	swait.ge [sflag:s24], $0x1  }
0x1b: {  	[sflag:s24] =	ssyncset.done $0x0  }
0x1c: {  	s26 =	simm.s32 $0x1B8E;
	s25 =	sld [smem:$0x3FFE];
	[sflag:s24] =	ssyncadd.s32 $0xFFFFFFFF  }
0x1d: {  	s27 =	simm.s32 $execute0_lowered;
	[smem:$0x3FD2] =	sst s26  }
0x1e: {  	s5 =	sshll.u32 s27, $0x1;
	_ =	strace $0x80000046;
	[dreg:$0x1] =	wrdreg $0xFFFFFFFF  }
0x1f: {  	s28 =	simm.s32 $_size_execute0_lowered;
	s3 =	sadd.s32 s3, s5;
	[dreg:$0x0] =	wrdreg $0x0  }
0x20: {  	s5 =	sshll.u32 s28, $0x1;
	[dreg:$0x2] =	wrdreg s3  }
0x21: {  	[dreg:$0x3] =	wrdreg s5  }
0x22: {  	[dreg:$0x4] =	wrdreg $0xC0  }
0x23: {  	_ =	task [dreg:s7], $0x5FFFF  }
0x24: {  	[dreg:$0x1] =	wrdreg $0xFFFFFFFF  }
0x25: {  	[dreg:$0x0] =	wrdreg $0x60  }
0x26: {  	[dreg:$0x2] =	wrdreg s2  }
0x27: {  	[dreg:$0x3] =	wrdreg s25  }
0x28: {  	[dreg:$0x4] =	wrdreg $0x9  }
0x29: {  	_ =	task.clear_ibuf [dreg:s7], $0x5FFFF;
	_ =	strace $0x90000046  }
0x2a: {  	s29 =	simm.s32 $0x9;
	_ =	strace $0x80000048  }
0x2b: {  	_ =	swait.ge [sflag:s29], $0x1  }
0x2c: {  	[sflag:s29] =	ssyncadd.s32 $0xFFFFFFFF  }
0x2d: {  	_ =	strace $0x90000048  }
0x2e: {  	_ =	sfence  }
0x2f: {  	s30 =	sld [smem:$0x0];
	_ =	sdelay $0x2  }
0x30: {  	s31 =	sshll.u32 s1, $0xD;
	s1 =	sshrl.u32 s1, $0x2  }
0x31: {  	s3 =	sand.u32 $0x4000, s31;
	s1 =	sadd.s32 s1, s30  }
0x32: {  	s0 =	sor.u32 s3, s0;
	s1 =	sshll.u32 s1, $0x11  }
0x33: {  	s0 =	sor.u32 s1, s0  }
0x34: {  	s0 =	sadd.s32 $0x8F2B, s0  }
0x35: {  	[sflag:s0] =	ssyncadd.remote.s32 $0x1  }
0x36: {  	_ =	sfence.sel $0xFFFF  }
0x37: {  	[dreg:$0x0] =	wrdreg $0xFFFFFFFF;
	(pc) =	sbr.abs _section_cstart, $3  }
0x38: {  	[dreg:$0x1] =	wrdreg $0xFFFFFFFF  }
0x39: {  	_ =	task.clear_ibuf [dreg:s7], $0x2FFFF;
	_ =	strace $0x9FFFFFFF  }
0x3a: {  	(tm) =	ssettm $0x7FFFFFFF  }
0x3b: {  	_ =	shalt  }
tec
execute0_lowered:
.L_overlay_start_1:
0x0: {  	(tag) =	ssettag $0x1  }
0x1: {  	s0 =	srdreg.scid  }
0x2: {  	s1 =	sshll.u32 s0, $0x4  }
0x3: {  	s3 =	rddreg [dreg:$0x0];
	s0 =	stileid.u32;
	s1 =	sand.u32 $0x10, s1  }
0x4: {  	s6 =	rddreg [dreg:$0x1];
	s1 =	sor.u32 s0, s1  }
0x5: {  	s7 =	simm.s32 $0x2;
	s14 =	simm.s32 $0x0;
	s2 =	sshll.u32 s1, $0x3  }
0x6: {  	s8 =	simm.s32 $0x800;
	s9 =	simm.s32 $0x7800;
	s1 =	ssub.s32 $0x3E8, s2  }
0x7: {  	s10 =	simm.s32 $0x0;
	s15 =	simm.s32 $0x0;
	s4 =	sand.u32 $0xF8, s1  }
0x8: {  	s12 =	simm.s32 $0x0;
	p0 =	sne.s32 s4, $0x0;
	s4 =	simm.s32 $0x1  }
.Ltmp0:
0x9: {  	s5 =	sshrl.u32 s1, $0x8;
	s4 =	simm.s32 @!p0 $0x0;
	(pc) =	sbr.rel .LBB1_1-.Ltmp0, $4  }
0xa: {  	s13 =	simm.s32 $0x0;
	s1 =	rddreg [dreg:$0x2];
	s5 =	sadd.s32 s4, s5  }
0xb: {  	_ =	strace $0x80000047;
	s4 =	simm.s32 $0x1;
	s5 =	smul.u32 $0xF, s5  }
0xc: {  	s20 =	simm.s32 $0x0;
	s6 =	sadd.s32 $0xC00, s6;
	[sflag:s4] =	ssyncpa.u1 $0x0  }
0xd: {  	s11 =	smov.u32 s2;
	[sflag:s7] =	ssyncpa.u1 $0x0;
	s7 =	sadd.s32 $0x1, s5  }
.LBB1_7:
0xe: {  	s16 =	sadd.s32 $0x100, s11  }
0xf: {  	s14 =	sadd.s32 $0x4, s12;
	s18 =	smov.u32 s12;
	p1 =	sgt.s32 s16, $0x3E7  }
0x10: {  	s18 =	smov.u32 @p1 s14  }
0x11: {  	s16 =	smov.u32 @p1 s2;
	p1 =	sgt.s32 s18, $0x3B  }
0x12: {  	s18 =	simm.s32 @p1 $0x0;
	p1 =	sne.s32 s13, s7  }
.Ltmp1:
0x13: {  	p0 =	slt.u32 s13, $0x2;
	(pc) =	sbr.rel @!p1 .LBB1_8-.Ltmp1, $4  }
0x14: {  	s17 =	simm.s32 @!p0 $0x2  }
0x15: {  	s15 =	smov.u32 s12;
	s10 =	sadd.s32 $0x4000, s10;
	_ =	swait.ge @!p0 [sflag:s17], $0x4000  }
0x16: {  	s14 =	smov.u32 s11;
	[sflag:s17] =	ssyncset.done @!p0 $0x0;
	s11 =	smov.u32 s16  }
0x17: {  	s13 =	sadd.s32 $0x1, s13;
	[sflag:s17] =	ssyncadd.s32 @!p0 $0xFFFFC000;
	s12 =	smov.u32 s18  }
.LBB1_1:
0x18: {  	p0 =	sge.u32 s13, s5  }
0x19: {  	s16 =	sshll.u32 @!p0 s11, $0x9;
	s17 =	sshll.u32 @!p0 s11, $0x7  }
0x1a: {  	s16 =	sand.u32 @!p0 $0xFFFFF000, s16;
	s17 =	sand.u32 @!p0 $0x200, s17  }
0x1b: {  	s16 =	sor.u32 @!p0 s17, s16  }
0x1c: {  	s16 =	sshrl.u32 @!p0 s16, $0x9  }
0x1d: {  	s17 =	smulhi.u32 @!p0 $0x83126F, s16;
	_ =	sdelay $0x1  }
0x1e: {  	s17 =	sshrl.u32 @!p0 s17, $0x1  }
0x1f: {  	s17 =	smul.u32 @!p0 $0x3E8, s17  }
0x20: {  	s31 =	sadd.s32 $0xFFFFFFFF, s13;
	s18 =	smul.u32 @!p0 $0xFA00, s12  }
0x21: {  	s19 =	sxor.u32 @!p0 $0xFFFFFFFF, s13;
	s16 =	ssub.s32 @!p0 s16, s17;
	s17 =	sshll.u32 @!p0 s11, $0x4  }
0x22: {  	s19 =	sshll.u32 @!p0 s19, $0xE;
	s18 =	sadd.s32 @!p0 s3, s18;
	s17 =	sand.u32 @!p0 $0x30, s17  }
0x23: {  	s19 =	sand.u32 @!p0 $0x4000, s19;
	s16 =	sshll.u32 @!p0 s16, $0x6;
	s17 =	sadd.s32 @!p0 s17, s18  }
0x24: {  	s18 =	simm.s32 @!p0 $0x7D000;
	s16 =	sadd.s32 @!p0 s16, s17;
	s17 =	simm.s32 @!p0 $0x1000  }
0x25: {  	[tilespmem:s19], [sflag:$0x1] =	stream.strided.gather @!p0 [hbm4b:s16+s17], $0x4000, s18, s17, $0x38;
	[tilespmem:$0x10000] =	vst v63  }
0x26: {  	p0 =	sge.u32 s31, s5  }
.Ltmp2:
0x27: {  	_ = 	snop;
	(pc) =	sbr.rel @p0 .LBB1_7-.Ltmp2, $1  }
0x28: {  	_ =	sdelay $0x3  }
0x29: {  	s17 =	sand.u32 $0x4000, s10  }
0x2a: {  	_ =	swait.ge [sflag:s4], $0x4000;
	s19 =	sshll.u32 s13, $0xE;
	s21 =	simm.s32 $0x0  }
0x2b: {  	s16 =	sor.u32 $0x8100, s17;
	[sflag:s4] =	ssyncset.done $0x0;
	s19 =	sand.u32 $0x4000, s19  }
0x2c: {  	s18 =	sor.u32 $0x810, s17;
	[sflag:s4] =	ssyncadd.s32 $0xFFFFC000;
	s17 =	sor.u32 $0x8000, s19  }
.LBB1_3:
0x2d: {  	v4 =	vld [tilespmem:s18+$0xFFFFF7F0]  }
0x2e: {  	v5 =	vld [tilespmem:s18+$0xFFFFF800]  }
0x2f: {  	s22 =	sshll.u32 s21, $0xC;
	v6 =	vld [tilespmem:s18+$0xFFFFF810]  }
0x30: {  	v0 =	vmov s22  }
0x31: {  	v7 =	vld [tilespmem:s18+$0xFFFFF820]  }
0x32: {  	s31 =	sand.u32 $0x200, s20;
	[tilespmem:s16+$0xFFFFFF00] =	vst v4;
	v4 =	vld [tilespmem:s18+$0xFFFFF860]  }
0x33: {  	s23 =	sand.u32 $0x180, s20;
	s22 =	sadd.s32 s31, s19;
	[tilespmem:s16+$0xFFFFFF10] =	vst v5;
	v5 =	vld [tilespmem:s18+$0xFFFFFC00]  }
0x34: {  	s22 =	sadd.s32 s23, s22;
	[tilespmem:s16+$0xFFFFFF20] =	vst v6;
	v6 =	vld [tilespmem:s18+$0xFFFFFC10]  }
0x35: {  	v1 =	vld.idx.msk [tilespmem:v0+s22+$0xC00 ss:$0x1], $0xffff  }
0x36: {  	v2 =	vld.idx.msk [tilespmem:v0+s22+$0x400 ss:$0x1], $0xffff  }
0x37: {  	[tilespmem:s16+$0xFFFFFF30] =	vst v7;
	v3 =	vld.idx.msk [tilespmem:v0+s22+$0x800 ss:$0x1], $0xffff  }
0x38: {  	v7 =	vld [tilespmem:s18+$0x40];
	[tilespmem:s16+$0xFFFFFF70] =	vst v4  }
0x39: {  	v4 =	vld [tilespmem:s18+$0xFFFFFC50];
	[tilespmem:s16+$0xFFFFFF90] =	vst v5  }
0x3a: {  	[tilespmem:s16+$0x80] =	vst v1;
	v1 =	vld [tilespmem:s18+$0xFFFFF830]  }
0x3b: {  	[tilespmem:s16+$0xFFFFFF80] =	vst v2;
	v2 =	vld [tilespmem:s18+$0xFFFFF840]  }
0x3c: {  	[tilespmem:s16+$0x0] =	vst v3;
	v3 =	vld [tilespmem:s18+$0xFFFFF850]  }
0x3d: {  	v5 =	vld [tilespmem:s18+$0xFFFFFC60];
	[tilespmem:s16+$0xFFFFFFA0] =	vst v6  }
0x3e: {  	v6 =	vld [tilespmem:s18+$0x0];
	[tilespmem:s16+$0x50] =	vst v7  }
0x3f: {  	[tilespmem:s16+$0xFFFFFF40] =	vst v1;
	v1 =	vld [tilespmem:s18+$0xFFFFFC20]  }
0x40: {  	[tilespmem:s16+$0xFFFFFF50] =	vst v2;
	v2 =	vld [tilespmem:s18+$0xFFFFFC30]  }
0x41: {  	[tilespmem:s16+$0xFFFFFF60] =	vst v3;
	v3 =	vld [tilespmem:s18+$0xFFFFFC40]  }
0x42: {  	[tilespmem:s16+$0xFFFFFFF0] =	vst v5;
	v5 =	vld [tilespmem:s18+$0x50]  }
0x43: {  	[tilespmem:s16+$0x10] =	vst v6;
	v6 =	vld [tilespmem:s18+$0x60]  }
0x44: {  	[tilespmem:s16+$0xFFFFFFB0] =	vst v1;
	v1 =	vld [tilespmem:s18+$0x10]  }
0x45: {  	[tilespmem:s16+$0xFFFFFFC0] =	vst v2;
	v2 =	vld [tilespmem:s18+$0x20]  }
0x46: {  	[tilespmem:s16+$0xFFFFFFD0] =	vst v3;
	v3 =	vld [tilespmem:s18+$0x30]  }
0x47: {  	[tilespmem:s16+$0xFFFFFFE0] =	vst v4;
	v4 =	vld [tilespmem:s18+$0x400]  }
0x48: {  	[tilespmem:s16+$0x60] =	vst v5;
	v5 =	vld [tilespmem:s18+$0x440]  }
0x49: {  	[tilespmem:s16+$0x20] =	vst v1;
	v1 =	vld [tilespmem:s18+$0x410]  }
0x4a: {  	s25 =	simm.s32 $0x80;
	s24 =	simm.s32 $0x100;
	[tilespmem:s16+$0x30] =	vst v2;
	v2 =	vld [tilespmem:s18+$0x420]  }
0x4b: {  	s26 =	sand.u32 $0x200, s25;
	s23 =	smov.u32 s18;
	s22 =	smov.u32 s16;
	[tilespmem:s16+$0x40] =	vst v3;
	v3 =	vld [tilespmem:s18+$0x430]  }
.LBB1_4:
0x4c: {  	p0 =	sne.s32 s24, $0x380;
	s25 =	sand.u32 $0x180, s25;
	s26 =	sadd.s32 s26, s19;
	[tilespmem:s22+$0x70] =	vst v6;
	v6 =	vld [tilespmem:s23+$0x450]  }
0x4d: {  	s26 =	sadd.s32 s25, s26;
	[tilespmem:s22+$0x90] =	vst v4;
	v4 =	vld [tilespmem:s23+$0x460];
	s25 =	smov.u32 s24  }
0x4e: {  	v7 =	vld.idx.msk [tilespmem:v0+s26+$0xC00 ss:$0x1], $0xffff;
	[tilespmem:s22+$0xA0] =	vst v1  }
0x4f: {  	v1 =	vld.idx.msk [tilespmem:v0+s26+$0x400 ss:$0x1], $0xffff;
	[tilespmem:s22+$0xB0] =	vst v2  }
0x50: {  	s23 =	sadd.s32 $0x80, s23;
	v2 =	vld.idx.msk [tilespmem:v0+s26+$0x800 ss:$0x1], $0xffff;
	[tilespmem:s22+$0xC0] =	vst v3  }
0x51: {  	v3 =	vld [tilespmem:s23+$0xFFFFF7F0];
	[tilespmem:s22+$0xD0] =	vst v5  }
0x52: {  	v5 =	vld [tilespmem:s23+$0xFFFFF800];
	[tilespmem:s22+$0xE0] =	vst v6  }
0x53: {  	v6 =	vld [tilespmem:s23+$0xFFFFF810];
	[tilespmem:s22+$0xF0] =	vst v4;
	s22 =	sadd.s32 $0x800, s22  }
0x54: {  	v4 =	vld [tilespmem:s23+$0xFFFFF820];
	[tilespmem:s22+$0x80] =	vst v7  }
0x55: {  	v7 =	vld [tilespmem:s23+$0xFFFFF830];
	[tilespmem:s22+$0xFFFFFF80] =	vst v1  }
0x56: {  	v1 =	vld [tilespmem:s23+$0xFFFFF840];
	[tilespmem:s22+$0x0] =	vst v2  }
0x57: {  	[tilespmem:s22+$0xFFFFFF00] =	vst v3;
	v2 =	vld [tilespmem:s23+$0xFFFFF850]  }
0x58: {  	[tilespmem:s22+$0xFFFFFF10] =	vst v5;
	v3 =	vld [tilespmem:s23+$0xFFFFF860]  }
0x59: {  	[tilespmem:s22+$0xFFFFFF20] =	vst v6;
	v5 =	vld [tilespmem:s23+$0xFFFFFC00]  }
0x5a: {  	[tilespmem:s22+$0xFFFFFF30] =	vst v4;
	v4 =	vld [tilespmem:s23+$0xFFFFFC10]  }
0x5b: {  	[tilespmem:s22+$0xFFFFFF40] =	vst v7;
	v6 =	vld [tilespmem:s23+$0xFFFFFC20]  }
0x5c: {  	[tilespmem:s22+$0xFFFFFF50] =	vst v1;
	v1 =	vld [tilespmem:s23+$0xFFFFFC30]  }
0x5d: {  	[tilespmem:s22+$0xFFFFFF60] =	vst v2;
	v2 =	vld [tilespmem:s23+$0xFFFFFC40]  }
0x5e: {  	[tilespmem:s22+$0xFFFFFF70] =	vst v3;
	v3 =	vld [tilespmem:s23+$0xFFFFFC50]  }
0x5f: {  	[tilespmem:s22+$0xFFFFFF90] =	vst v5;
	v5 =	vld [tilespmem:s23+$0xFFFFFC60]  }
0x60: {  	[tilespmem:s22+$0xFFFFFFA0] =	vst v4;
	v4 =	vld [tilespmem:s23+$0x0]  }
0x61: {  	[tilespmem:s22+$0xFFFFFFB0] =	vst v6;
	v7 =	vld [tilespmem:s23+$0x10]  }
0x62: {  	[tilespmem:s22+$0xFFFFFFC0] =	vst v1;
	v1 =	vld [tilespmem:s23+$0x20]  }
0x63: {  	[tilespmem:s22+$0xFFFFFFD0] =	vst v2;
	v2 =	vld [tilespmem:s23+$0x30]  }
0x64: {  	[tilespmem:s22+$0xFFFFFFE0] =	vst v3;
	v3 =	vld [tilespmem:s23+$0x40]  }
0x65: {  	[tilespmem:s22+$0xFFFFFFF0] =	vst v5;
	v5 =	vld [tilespmem:s23+$0x50]  }
0x66: {  	[tilespmem:s22+$0x10] =	vst v4;
	v6 =	vld [tilespmem:s23+$0x60]  }
.Ltmp3:
0x67: {  	[tilespmem:s22+$0x20] =	vst v7;
	v4 =	vld [tilespmem:s23+$0x400];
	(pc) =	sbr.rel @p0 .LBB1_4-.Ltmp3, $4  }
0x68: {  	[tilespmem:s22+$0x30] =	vst v1;
	v1 =	vld [tilespmem:s23+$0x410]  }
0x69: {  	[tilespmem:s22+$0x40] =	vst v2;
	v2 =	vld [tilespmem:s23+$0x420]  }
0x6a: {  	[tilespmem:s22+$0x50] =	vst v3;
	v3 =	vld [tilespmem:s23+$0x430]  }
0x6b: {  	s24 =	sadd.s32 $0x80, s24;
	s26 =	sand.u32 $0x200, s25;
	[tilespmem:s22+$0x60] =	vst v5;
	v5 =	vld [tilespmem:s23+$0x440]  }
0x6c: {  	[tilespmem:s22+$0x70] =	vst v6  }
0x6d: {  	v30 =	vld [tilespmem:s23+$0x450];
	[tilespmem:s22+$0x90] =	vst v4  }
0x6e: {  	v31 =	vld [tilespmem:s23+$0x460];
	s30 =	sadd.s32 $0x80, s23;
	[tilespmem:s22+$0xA0] =	vst v1  }
0x6f: {  	v35 =	vld [tilespmem:s30+$0xFFFFF7F0];
	[tilespmem:s22+$0xB0] =	vst v2  }
0x70: {  	v36 =	vld [tilespmem:s30+$0xFFFFF800];
	[tilespmem:s22+$0xC0] =	vst v3  }
0x71: {  	v37 =	vld [tilespmem:s30+$0xFFFFF810];
	[tilespmem:s22+$0xD0] =	vst v5  }
0x72: {  	v38 =	vld [tilespmem:s30+$0xFFFFF820];
	[tilespmem:s22+$0xE0] =	vst v30  }
0x73: {  	s31 =	sadd.s32 $0x800, s22;
	v39 =	vld [tilespmem:s30+$0xFFFFF830];
	[tilespmem:s22+$0xF0] =	vst v31  }
0x74: {  	v40 =	vld [tilespmem:s30+$0xFFFFF840];
	[tilespmem:s31+$0xFFFFFF00] =	vst v35  }
0x75: {  	v41 =	vld [tilespmem:s30+$0xFFFFF850];
	[tilespmem:s31+$0xFFFFFF10] =	vst v36  }
0x76: {  	v42 =	vld [tilespmem:s30+$0xFFFFF860];
	[tilespmem:s31+$0xFFFFFF20] =	vst v37  }
0x77: {  	v43 =	vld [tilespmem:s30+$0xFFFFFC00];
	[tilespmem:s31+$0xFFFFFF30] =	vst v38  }
0x78: {  	v44 =	vld [tilespmem:s30+$0xFFFFFC10];
	[tilespmem:s31+$0xFFFFFF40] =	vst v39  }
0x79: {  	v45 =	vld [tilespmem:s30+$0xFFFFFC20];
	[tilespmem:s31+$0xFFFFFF50] =	vst v40  }
0x7a: {  	v46 =	vld [tilespmem:s30+$0xFFFFFC30];
	[tilespmem:s31+$0xFFFFFF60] =	vst v41  }
0x7b: {  	v47 =	vld [tilespmem:s30+$0xFFFFFC40];
	[tilespmem:s31+$0xFFFFFF70] =	vst v42  }
0x7c: {  	v48 =	vld [tilespmem:s30+$0xFFFFFC50];
	[tilespmem:s31+$0xFFFFFF90] =	vst v43  }
0x7d: {  	v49 =	vld [tilespmem:s30+$0xFFFFFC60];
	[tilespmem:s31+$0xFFFFFFA0] =	vst v44  }
0x7e: {  	v50 =	vld [tilespmem:s30+$0x0];
	[tilespmem:s31+$0xFFFFFFB0] =	vst v45  }
0x7f: {  	v51 =	vld [tilespmem:s30+$0x10];
	[tilespmem:s31+$0xFFFFFFC0] =	vst v46  }
0x80: {  	v52 =	vld [tilespmem:s30+$0x20];
	[tilespmem:s31+$0xFFFFFFD0] =	vst v47  }
0x81: {  	v53 =	vld [tilespmem:s30+$0x30];
	[tilespmem:s31+$0xFFFFFFE0] =	vst v48  }
0x82: {  	v54 =	vld [tilespmem:s30+$0x40];
	[tilespmem:s31+$0xFFFFFFF0] =	vst v49  }
0x83: {  	v55 =	vld [tilespmem:s30+$0x50];
	[tilespmem:s31+$0x10] =	vst v50  }
0x84: {  	v56 =	vld [tilespmem:s30+$0x60];
	[tilespmem:s31+$0x20] =	vst v51  }
0x85: {  	v57 =	vld [tilespmem:s30+$0x400];
	[tilespmem:s31+$0x30] =	vst v52  }
0x86: {  	v58 =	vld [tilespmem:s30+$0x410];
	[tilespmem:s31+$0x40] =	vst v53  }
0x87: {  	v59 =	vld [tilespmem:s30+$0x420];
	[tilespmem:s31+$0x50] =	vst v54  }
0x88: {  	v60 =	vld [tilespmem:s30+$0x430];
	[tilespmem:s31+$0x60] =	vst v55  }
0x89: {  	v61 =	vld [tilespmem:s30+$0x440];
	[tilespmem:s31+$0x70] =	vst v56  }
0x8a: {  	s24 =	sand.u32 $0x180, s25;
	s29 =	sadd.s32 s26, s19;
	v62 =	vld [tilespmem:s30+$0x450];
	[tilespmem:s31+$0x90] =	vst v57  }
0x8b: {  	s24 =	sadd.s32 s24, s29;
	v63 =	vld [tilespmem:s30+$0x460];
	[tilespmem:s31+$0xA0] =	vst v58  }
0x8c: {  	v32 =	vld.idx.msk [tilespmem:v0+s24+$0xC00 ss:$0x1], $0xffff;
	[tilespmem:s31+$0xB0] =	vst v59  }
0x8d: {  	s21 =	sadd.s32 $0x1, s21;
	v33 =	vld.idx.msk [tilespmem:v0+s24+$0x400 ss:$0x1], $0xffff;
	[tilespmem:s31+$0xC0] =	vst v60  }
0x8e: {  	p0 =	sne.s32 s21, $0x4;
	v34 =	vld.idx.msk [tilespmem:v0+s24+$0x800 ss:$0x1], $0xffff;
	[tilespmem:s31+$0xD0] =	vst v61  }
.Ltmp4:
0x8f: {  	[tilespmem:s31+$0xE0] =	vst v62;
	(pc) =	sbr.rel @p0 .LBB1_3-.Ltmp4, $4  }
0x90: {  	[tilespmem:s31+$0xF0] =	vst v63  }
0x91: {  	[tilespmem:s31+$0x80] =	vst v32  }
0x92: {  	[tilespmem:s31+$0xFFFFFF80] =	vst v33  }
0x93: {  	s16 =	sadd.s32 $0x200, s16;
	s18 =	sadd.s32 $0x1000, s18;
	[tilespmem:s31+$0x0] =	vst v34  }
.Ltmp5:
0x94: {  	(pc) =	sbr.rel .LBB1_7-.Ltmp5, $4  }
0x95: {  	s14 =	smul.u32 $0xF00, s14;
	s15 =	sshll.u32 s15, $0x6  }
0x96: {  	s15 =	sadd.s32 s6, s15  }
0x97: {  	s14 =	sadd.s32 s14, s15  }
0x98: {  	[hbm4b:s14+s8] =	stream.strided.scatter [tilespmem:s17], [sflag:$0x2], $0x4000, s9, s8, $0x38;
	[tilespmem:$0x10000] =	vst v63  }
.LBB1_8:
0x99: {  	_ =	sfence.sel $0x180000  }
0x9a: {  	s2 =	simm.s32 $0x1;
	[bflag:$0x0] =	sbarrier.arrive $0xFFFF  }
0x9b: {  	s31 =	simm.s32 $0x2;
	[sflag:s2] =	ssyncpa.u1 $0x1  }
0x9c: {  	[sflag:s31] =	ssyncpa.u1 $0x1  }
0x9d: {  	p0 =	sne.s32 s0, $0x0;
	_ =	strace $0x90000047  }
0x9e: {  	s0 =	sadd.s32 @!p0 $0x100000, s1;
	[bflag:$0x2] =	sbarrier.arrive $0xFFFF  }
0x9f: {  	[sflag:s0] =	ssyncadd.tile.s32 @!p0 $0x1;
	_ =	shalt  }
.Lfunc_end1:
_tile_overlayer_lowered:
.L_overlay_start_2:
0xa0: {  	(tag) =	ssettag $0x2  }
0xa1: {  	s0 =	rddreg [dreg:$0x0];
	s2 =	stileid.u32  }
0xa2: {  	s1 =	rddreg [dreg:$0x1];
	p0 =	sne.s32 s2, $0x0  }
0xa3: {  	s3 =	rddreg [dreg:$0x2];
	[bflag:$0x3] =	sbarrier.arrive $0xFFFF;
	s2 =	simm.s32 @!p0 $0x1C01  }
0xa4: {  	[timem:s3], [sflag:s2] =	dma.local @!p0 [hbm:s0], s1  }
0xa5: {  	s0 =	simm.s32 @!p0 $0x1  }
0xa6: {  	_ =	swait.ge @!p0 [sflag:s0], s1  }
0xa7: {  	s1 =	ssub.s32 @!p0 $0x0, s1;
	[sflag:s0] =	ssyncset.done @!p0 $0x0  }
0xa8: {  	[sflag:s0] =	ssyncadd.s32 @!p0 s1  }
0xa9: {  	[bflag:$0x3] =	sbarrier.arrive $0xFFFF  }
0xaa: {  	_ =	shalt  }

</sc_bundles>
